<compile_context>
chip_gen: v7x
topology: tpu7x:2x2x1
jax: 0.10.2.dev20260603
libtpu: 0.0.44.dev20260713+nightly
codegen_flags: <defaults>
</compile_context>

<pallas_src>
import functools

import jax
import jax.numpy as jnp
import numpy as np
from jax import lax
from jax.experimental import pallas as pl
from jax.experimental.pallas import tpu as pltpu
from jax.experimental.pallas import tpu_sc as plsc

_ANCHORS = [[42.31, 55.41], [102.17, 128.3], [161.79, 259.17], [303.08, 154.9], [359.56, 320.23]]
_ABW = tuple(float(np.float32(np.float32(a[0]) / np.float32(512.0 / 14.0) / np.float32(14.0))) for a in _ANCHORS)
_ABH = tuple(float(np.float32(np.float32(a[1]) / np.float32(512.0 / 14.0) / np.float32(14.0))) for a in _ANCHORS)
_NEG = float(np.float32(-3e38))
_LN2 = 0.6931471805599453
_BS, _A, _N, _NP = 64, 5, 196, 208
_Q = 1024
_CHUNKS = _NP // 16


def _ln(x):
    bits = lax.bitcast_convert_type(x, jnp.int32)
    e = ((bits >> 23) & 0xFF) - 127
    m = lax.bitcast_convert_type((bits & 0x007FFFFF) | 0x3F800000, jnp.float32)
    s = (m - 1.0) / (m + 1.0)
    s2 = s * s
    p = 1.0 + s2 * (1.0 / 3.0 + s2 * (0.2 + s2 * (1.0 / 7.0 + s2 * (1.0 / 9.0))))
    ln = e.astype(jnp.float32) * _LN2 + 2.0 * s * p
    return jnp.where(x > 0.0, ln, -jnp.inf)


def _sig(x):
    return 1.0 / (1.0 + jnp.exp(-x))


def _sc_body(imgs_per, nc, pred_h, lab_h, sg_h, gts_h, pred_v, lab_v, gt_v, sg_v):
    wid = lax.axis_index("s") * nc + lax.axis_index("c")
    lane = lax.iota(jnp.int32, 16)
    zeros16 = jnp.zeros((16,), jnp.float32)

    def one_image(i, carry):
        b = wid * imgs_per + i
        pltpu.sync_copy(pred_h.at[b], pred_v)
        pltpu.sync_copy(lab_h.at[b], lab_v)

        def zbody(k, c):
            sl = pl.ds(k * 16, 16)
            for r in range(6):
                sg_v[r, sl] = zeros16
            return c

        lax.fori_loop(0, _Q // 16, zbody, jnp.int32(0))

        def abody(k, acc):
            acc_t, anyv = acc
            sl = pl.ds(k * 16, 16)
            n_i = lane + k * 16
            colf = lax.rem(n_i, 14).astype(jnp.float32)
            rowf = lax.div(n_i, 14).astype(jnp.float32)
            l0 = lab_v[0, sl]
            l3 = lab_v[3, sl]
            l4 = lab_v[4, sl]
            tw = lab_v[5, sl]
            th = lab_v[6, sl]
            valid = l0 != 0.0
            vldf = jnp.where(valid, 1.0, 0.0).astype(jnp.float32)
            txf = l3 + colf
            tyf = l4 + rowf
            wi = txf.astype(jnp.int32)
            hj = tyf.astype(jnp.int32)
            gtx = txf / 14.0
            gty = tyf / 14.0
            gx1 = gtx - 0.5 * tw
            gx2 = gtx + 0.5 * tw
            gy1 = gty - 0.5 * th
            gy2 = gty + 0.5 * th
            ga = tw * th
            gc = jnp.where(valid, -0.6 * ga, _NEG)
            gt_v[0, sl] = gx1
            gt_v[1, sl] = gx2
            gt_v[2, sl] = gy1
            gt_v[3, sl] = gy2
            gt_v[4, sl] = gc
            best = jnp.full((16,), -1.0, jnp.float32)
            bid = jnp.zeros((16,), jnp.int32)
            aws = jnp.full((16,), _ABW[0], jnp.float32)
            ahs = jnp.full((16,), _ABH[0], jnp.float32)
            for a in range(_A):
                inter = jnp.minimum(tw, _ABW[a]) * jnp.minimum(th, _ABH[a])
                u = ga + (_ABW[a] * _ABH[a]) - inter
                iou = jnp.maximum(inter / u, 0.0)
                cnd = iou > best
                best = jnp.where(cnd, iou, best)
                bid = jnp.where(cnd, a, bid)
                aws = jnp.where(cnd, _ABW[a], aws)
                ahs = jnp.where(cnd, _ABH[a], ahs)
            wg = jnp.minimum(wi, 13)
            hg = jnp.minimum(hj, 13)
            cg = hg * 14 + wg
            ch0 = bid * 7
            p0g = plsc.load_gather(pred_v, [ch0, cg])
            p1g = plsc.load_gather(pred_v, [ch0 + 1, cg])
            p2g = plsc.load_gather(pred_v, [ch0 + 2, cg])
            p3g = plsc.load_gather(pred_v, [ch0 + 3, cg])
            p4g = plsc.load_gather(pred_v, [ch0 + 4, cg])
            p5g = plsc.load_gather(pred_v, [ch0 + 5, cg])
            p6g = plsc.load_gather(pred_v, [ch0 + 6, cg])
            row1 = jnp.full((16,), 1, jnp.int32)
            cv1 = plsc.load_gather(lab_v, [row1, cg])
            cv2 = plsc.load_gather(lab_v, [row1 + 1, cg])
            ax = _sig(p3g)
            ay = _sig(p4g)
            lnw = _ln(tw / aws)
            lnh = _ln(th / ahs)
            truth_x = txf - wi.astype(jnp.float32)
            truth_y = tyf - hj.astype(jnp.float32)
            scale = 2.0 - truth_x * truth_y
            px = (ax + wg.astype(jnp.float32)) / 14.0
            py = (ay + hg.astype(jnp.float32)) / 14.0
            pw = jnp.exp(p5g) * aws
            ph = jnp.exp(p6g) * ahs
            px1 = px - 0.5 * pw
            px2 = px + 0.5 * pw
            py1 = py - 0.5 * ph
            py2 = py + 0.5 * ph
            xi1 = jnp.maximum(px1, gx1)
            xi2 = jnp.minimum(px2, gx2)
            yi1 = jnp.maximum(py1, gy1)
            yi2 = jnp.minimum(py2, gy2)
            inter = jnp.maximum(xi2 - xi1, 0.0) * jnp.maximum(yi2 - yi1, 0.0)
            u = pw * ph + ga - inter
            iou_t = jnp.maximum(inter / u, 0.0)
            obj5 = 5.0 * (p0g - iou_t)
            c1 = scale * (ax - truth_x)
            c2 = scale * (ay - truth_y)
            c3 = scale * (p5g - lnw)
            c4 = scale * (p6g - lnh)
            cls = (p1g - cv1) * (p1g - cv1) + (p2g - cv2) * (p2g - cv2)
            inb = valid & (wi <= 13) & (hj <= 13)
            q = bid * _N + hg * 14 + wg
            onesf = jnp.full((16,), 1.0, jnp.float32)
            for ci, cc in enumerate((c1, c2, c3, c4, obj5, onesf)):
                plsc.addupdate_scatter(sg_v, [jnp.full((16,), ci, jnp.int32), q],
                                       cc, mask=inb)
            acc_t = acc_t + jnp.where(valid, cls, 0.0)
            anyv = jnp.maximum(anyv, vldf)
            return acc_t, anyv

        acc_t, anyv = lax.fori_loop(0, _CHUNKS, abody, (zeros16, zeros16))
        cls_total = jnp.sum(acc_t)
        anym = jnp.max(anyv)
        gt_v[5, pl.ds(0, 16)] = jnp.where(
            lane == 0, cls_total, jnp.where(lane == 1, anym, 0.0))
        pltpu.sync_copy(sg_v, sg_h.at[b])
        pltpu.sync_copy(gt_v, gts_h.at[b])
        return carry

    lax.fori_loop(0, imgs_per, one_image, jnp.int32(0))


def _tc_body(predT_ref, sg_ref, gts_ref, aux_ref, coef_ref, out_ref):
    coefs = coef_ref[0, 0]
    abw = aux_ref[0].reshape(8, 128)
    abh = aux_ref[1].reshape(8, 128)
    colf = aux_ref[2].reshape(8, 128)
    rowf = aux_ref[3].reshape(8, 128)
    p0 = predT_ref[0, 0].reshape(8, 128)
    p3 = predT_ref[0, 3].reshape(8, 128)
    p4 = predT_ref[0, 4].reshape(8, 128)
    p5 = predT_ref[0, 5].reshape(8, 128)
    p6 = predT_ref[0, 6].reshape(8, 128)
    ax = _sig(p3)
    ay = _sig(p4)
    px = (ax + colf) / 14.0
    py = (ay + rowf) / 14.0
    pw = jnp.exp(p5) * abw
    ph = jnp.exp(p6) * abh
    px1 = px - 0.5 * pw
    px2 = px + 0.5 * pw
    py1 = py - 0.5 * ph
    py2 = py + 0.5 * ph
    pam = -0.6 * (pw * ph)

    def gbody(g, m):
        gx1s = gts_ref[0, 0, g]
        gx2s = gts_ref[0, 1, g]
        gy1s = gts_ref[0, 2, g]
        gy2s = gts_ref[0, 3, g]
        gcs = gts_ref[0, 4, g]
        xi1 = jnp.maximum(px1, gx1s)
        xi2 = jnp.minimum(px2, gx2s)
        yi1 = jnp.maximum(py1, gy1s)
        yi2 = jnp.minimum(py2, gy2s)
        inter = jnp.maximum(xi2 - xi1, 0.0) * jnp.maximum(yi2 - yi1, 0.0)
        return jnp.maximum(m, 1.6 * inter + gcs)

    m = lax.fori_loop(0, _N, gbody, jnp.full((8, 128), _NEG, jnp.float32),
                      unroll=14)
    noobj = (m + pam) <= 0.0
    ol = jnp.where(noobj, 0.5 * p0, 0.0)
    mc = sg_ref[0, 5].reshape(8, 128)
    omc = 1.0 - mc
    acc = jnp.zeros((8, 128), jnp.float32)
    for ci, co in enumerate((coefs * (ax - 0.5), coefs * (ay - 0.5),
                             coefs * p5, coefs * p6, ol)):
        tg = sg_ref[0, ci].reshape(8, 128)
        bc = mc * tg + omc * co
        acc = acc + bc * bc
    cls_s = gts_ref[0, 5, 0]
    anyv_s = gts_ref[0, 5, 1]
    pb = jnp.where(anyv_s > 0.0, jnp.sum(acc) + cls_s, 0.0)
    out_ref[0, 0, 0] = pb


def kernel(pred, label, seen):
    try:
        info = plsc.get_sparse_core_info()
        nc, ns = info.num_cores, info.num_subcores
    except Exception:
        nc, ns = 2, 16
    nw = nc * ns
    imgs_per = _BS // nw
    pred2 = jnp.pad(pred.reshape(_BS, 35, _N), ((0, 0), (0, 0), (0, _NP - _N)))
    lab2 = jnp.pad(label.reshape(_BS, 7, _N), ((0, 0), (0, 0), (0, _NP - _N)))
    predT = jnp.pad(
        pred.reshape(_BS, _A, 7, _N).transpose(0, 2, 1, 3).reshape(_BS, 7, _A * _N),
        ((0, 0), (0, 0), (0, _Q - _A * _N)))
    coef = jnp.where(jnp.asarray(seen) < 12800, jnp.float32(0.01),
                     jnp.float32(0.0)).reshape(1, 1)
    q = np.arange(_Q)
    a_of_q = np.minimum(q // _N, _A - 1)
    n_of_q = q % _N
    aux = np.zeros((6, _Q), np.float32)
    aux[0] = np.where(q < _A * _N, np.asarray(_ABW, np.float32)[a_of_q], 1.0)
    aux[1] = np.where(q < _A * _N, np.asarray(_ABH, np.float32)[a_of_q], 1.0)
    aux[2] = np.where(q < _A * _N, (n_of_q % 14).astype(np.float32), 0.0)
    aux[3] = np.where(q < _A * _N, (n_of_q // 14).astype(np.float32), 0.0)
    aux = jnp.asarray(aux)

    mesh = plsc.VectorSubcoreMesh(core_axis_name="c", subcore_axis_name="s",
                                  num_cores=nc, num_subcores=ns)
    sg, gts = pl.kernel(
        functools.partial(_sc_body, imgs_per, nc),
        out_type=(jax.ShapeDtypeStruct((_BS, 6, _Q), jnp.float32),
                  jax.ShapeDtypeStruct((_BS, 6, _NP), jnp.float32)),
        mesh=mesh,
        compiler_params=pltpu.CompilerParams(use_tc_tiling_on_sc=False,
                                             needs_layout_passes=False),
        scratch_types=[
            pltpu.VMEM((35, _NP), jnp.float32),
            pltpu.VMEM((7, _NP), jnp.float32),
            pltpu.VMEM((6, _NP), jnp.float32),
            pltpu.VMEM((6, _Q), jnp.float32),
        ],
    )(pred2, lab2)

    out = pl.pallas_call(
        _tc_body,
        grid=(_BS,),
        in_specs=[
            pl.BlockSpec((1, 7, _Q), lambda i: (i, 0, 0)),
            pl.BlockSpec((1, 6, _Q), lambda i: (i, 0, 0)),
            pl.BlockSpec((1, 6, _NP), lambda i: (i, 0, 0),
                         memory_space=pltpu.SMEM),
            pl.BlockSpec((6, _Q), lambda i: (0, 0)),
            pl.BlockSpec((1, 1), lambda i: (0, 0), memory_space=pltpu.SMEM),
        ],
        out_specs=pl.BlockSpec((1, 1, 1), lambda i: (i, 0, 0),
                               memory_space=pltpu.SMEM),
        out_shape=jax.ShapeDtypeStruct((_BS, 1, 1), jnp.float32),
    )(predT, sg, gts, aux, coef)
    return (jnp.sum(out) / _BS).reshape(1)

# --- scband reference (transcript-rebuilt; emitter-appended) ---
"""Pipeline reference for scband-v2loss-33260226740226 (READ-ONLY COPY).

The authoritative reference and input builder live on the scoring server;
editing this copy changes nothing except your own understanding.
"""

import jax, jax.numpy as jnp
import numpy as np

ANCHORS = [[42.31, 55.41], [102.17, 128.3], [161.79, 259.17], [303.08, 154.9], [359.56, 320.23]]
NUM_CLASS = 2
OBJ_SCALE = 5.0
NOOBJ_SCALE = 0.5
CLASS_SCALE = 1.0
COORD_SCALE = 1.0


def setup_inputs(seed: int = 0):
    key = jax.random.key(seed)
    k1, k2 = jax.random.split(key)
    pred = jax.random.normal(k1, (64, 35, 14, 14), dtype=jnp.float32)
    label = jax.random.uniform(k2, (64, 7, 14, 14), dtype=jnp.float32)
    return {"pred": pred, "label": label, "seen": 1000}


def _bbox_ious(b1, b2):
    # b1: [..., 4], b2: [M, 4] -> [..., M]  (faithful to torch bbox_ious)
    x1, y1, w1, h1 = jnp.split(b1, 4, axis=-1)
    x2, y2, w2, h2 = [t[:, 0] for t in jnp.split(b2, 4, axis=-1)]
    x11 = x1 - 0.5 * w1; y11 = y1 - 0.5 * h1
    x12 = x1 + 0.5 * w1; y12 = y1 + 0.5 * h1
    x21 = x2 - 0.5 * w2; y21 = y2 - 0.5 * h2
    x22 = x2 + 0.5 * w2; y22 = y2 + 0.5 * h2
    xI1 = jnp.maximum(x11, x21); yI1 = jnp.maximum(y11, y21)
    xI2 = jnp.minimum(x12, x22); yI2 = jnp.minimum(y12, y22)
    inter = jnp.clip(xI2 - xI1, 0) * jnp.clip(yI2 - yI1, 0)
    a1 = (x12 - x11) * (y12 - y11)
    a2 = (x22 - x21) * (y22 - y21)
    union = a1 + a2 - inter
    return jnp.clip(inter / union, 0)


def _v2loss(pred, label, seen):
    A = len(ANCHORS); SIZE = 1 + NUM_CLASS + 4
    BS = pred.shape[0]; H = pred.shape[2]; W = pred.shape[3]
    N = H * W
    anchors = jnp.asarray(ANCHORS, jnp.float32) / (512 / 14.0)
    wh = jnp.asarray([W, H], jnp.float32)
    anchor_bias = anchors / wh  # [A,2]
    predr = jnp.transpose(pred, (0, 2, 3, 1)).reshape(BS, H, W, A, SIZE)
    cols, rows = jnp.meshgrid(jnp.arange(W), jnp.arange(H))
    cols_f = cols.astype(jnp.float32); rows_f = rows.astype(jnp.float32)
    wh_ids = jnp.stack([cols_f, rows_f], -1)[:, :, None, :]  # [H,W,1,2] = (col,row)
    adjust_xy = jax.nn.sigmoid(predr[..., 3:5])
    adjust_coords = (adjust_xy + wh_ids) / wh
    adjust_wh = jnp.exp(predr[..., 5:7]) * anchor_bias
    # parse_label, vectorized: gt in raster (row-major) cell order
    valid = (label[:, 0] != 0).reshape(BS, N)
    tx = (label[:, 3] + cols_f).reshape(BS, N)
    ty = (label[:, 4] + rows_f).reshape(BS, N)
    tw = label[:, 5].reshape(BS, N)
    th = label[:, 6].reshape(BS, N)
    gt = jnp.stack([tx / W, ty / H, tw, th], -1)  # [BS,N,4]
    pred_outputs = jnp.concatenate([adjust_coords, adjust_wh], -1)  # [BS,H,W,A,4]
    ious = jax.vmap(_bbox_ious)(pred_outputs, gt)  # [BS,H,W,A,N]
    ious_m = jnp.where(valid[:, None, None, None, :], ious, -jnp.inf)
    boxes_max_iou = jnp.max(ious_m, -1)
    noobj_mask = (boxes_max_iou <= 0.6).astype(jnp.float32)
    all_obj_loss = noobj_mask * (NOOBJ_SCALE * predr[..., 0])
    all_coords_loss = jnp.where(
        seen < 12800,
        0.01 * jnp.concatenate([adjust_xy - 0.5, predr[..., 5:7] - 0.0], -1),
        jnp.zeros((BS, H, W, A, 4), jnp.float32))
    coord_obj_loss = jnp.concatenate([all_coords_loss, all_obj_loss[..., None]], -1)  # [BS,H,W,A,5]
    # per-truth assignment (vectorized over the truth loop)
    anchor_boxes = jnp.concatenate([jnp.zeros((A, 2), jnp.float32), anchor_bias], 1)  # [A,4]
    truth_boxes0 = jnp.stack([jnp.zeros_like(tw), jnp.zeros_like(tw), tw, th], -1)  # [BS,N,4]
    anchor_sel = _bbox_ious(truth_boxes0, anchor_boxes)  # [BS,N,A]
    anchor_id = jnp.argmax(anchor_sel, -1)  # [BS,N]
    wi = tx.astype(jnp.int32); hj = ty.astype(jnp.int32)
    truth_x = tx - wi.astype(jnp.float32)
    truth_y = ty - hj.astype(jnp.float32)
    sel_ab = anchor_bias[anchor_id]  # [BS,N,2]
    truth_wh = jnp.log(jnp.stack([tw, th], -1) / sel_ab)
    truth_coords = jnp.concatenate([truth_x[..., None], truth_y[..., None], truth_wh], -1)
    b_idx = jnp.arange(BS)[:, None]
    pred_out_t = predr[b_idx, hj, wi, anchor_id]  # [BS,N,SIZE]
    pred_xy_t = adjust_xy[b_idx, hj, wi, anchor_id]  # [BS,N,2]
    pred_coords = jnp.concatenate([pred_xy_t, pred_out_t[..., 5:7]], -1)
    coords_loss = COORD_SCALE * (2.0 - truth_x * truth_y)[..., None] * (pred_coords - truth_coords)
    iou_t = ious[b_idx, hj, wi, anchor_id, jnp.arange(N)[None, :]]  # [BS,N]
    obj_loss_t = OBJ_SCALE * (pred_out_t[..., 0] - iou_t)
    truth_co_obj = jnp.concatenate([coords_loss, obj_loss_t[..., None]], -1)  # [BS,N,5]
    lab1 = label[:, 1]; lab2 = label[:, 2]
    class_vec = jnp.stack([lab1[b_idx, hj, wi], lab2[b_idx, hj, wi]], -1)
    class_loss = CLASS_SCALE * (pred_out_t[..., 1:3] - class_vec)
    cls_sq = jnp.sum(jnp.where(valid[..., None], class_loss ** 2, 0.0), axis=(1, 2))
    valid_f = valid.astype(jnp.float32)
    mask_vals = jnp.broadcast_to(valid_f[..., None], valid_f.shape + (5,))
    mask_grid = jnp.zeros((BS, H, W, A, 5), jnp.float32).at[b_idx, hj, wi, anchor_id].add(mask_vals)
    truth_grid = jnp.zeros((BS, H, W, A, 5), jnp.float32).at[b_idx, hj, wi, anchor_id].add(
        jnp.where(valid[..., None], truth_co_obj, 0.0))
    batch_col = mask_grid * truth_grid + (1.0 - mask_grid) * coord_obj_loss
    per_batch = cls_sq + jnp.sum(batch_col ** 2, axis=(1, 2, 3, 4))
    per_batch = jnp.where(jnp.any(valid, -1), per_batch, 0.0)  # torch 'continue' when no GT
    loss = jnp.sum(per_batch) / BS
    return loss.reshape(1)


def reference(pred, label, seen):
    return _v2loss(pred, label, seen)

if __name__ == "__main__":
    import jax
    _d = setup_inputs()
    print(jax.jit(kernel)(*tuple(_d.values())))

</pallas_src>

<mosaic_0001>
#map = affine_map<(d0, d1) -> (0, 0, 0)>
module attributes {stable_mosaic.version = 14 : i64} {
  func.func @_sc_body(%arg0: i32, %arg1: i32, %arg2: memref<64x35x208xf32, #tpu.memory_space<hbm>>, %arg3: memref<64x7x208xf32, #tpu.memory_space<hbm>>, %arg4: memref<64x6x1024xf32, #tpu.memory_space<hbm>>, %arg5: memref<64x6x208xf32, #tpu.memory_space<hbm>>, %arg6: memref<35x208xf32, #tpu.memory_space<vmem>>, %arg7: memref<7x208xf32, #tpu.memory_space<vmem>>, %arg8: memref<6x208xf32, #tpu.memory_space<vmem>>, %arg9: memref<6x1024xf32, #tpu.memory_space<vmem>>) attributes {dimension_semantics = [#tpu.dimension_semantics<core_parallel>, #tpu.dimension_semantics<subcore_parallel>], iteration_bounds = array<i64: 2, 16>, scalar_prefetch = 0 : i64, scratch_operands = 4 : i64, tpu.core_type = #tpu.core_type<sc_vector_subcore>, window_params = [{transform_indices = #map}, {transform_indices = #map}, {transform_indices = #map}, {transform_indices = #map}]} {
    %mul3A = arith.constant 2 : i32
    %mul3A_0 = arith.muli %arg1, %mul3A : i32
    %add3A = arith.addi %mul3A_0, %arg0 : i32
    %iota3A = tpu.iota {dimensions = array<i32: 0>} : vector<16xi32>
    %broadcast_in_dim3A = arith.constant 0.000000e+00 : f32
    %broadcast_in_dim3A_1 = vector.broadcast %broadcast_in_dim3A : f32 to vector<16xf32>
    %scan3A = arith.constant 0 : i32
    %scan3A_2 = arith.constant 0 : i32
    %scan3A_3 = arith.constant 2 : i32
    %scan3A_4 = arith.addi %scan3A_2, %scan3A_3 : i32
    %scan3A_5 = arith.constant 1 : i32
    scf.for %scan3A_7 = %scan3A_2 to %scan3A_4 step %scan3A_5  : i32 {
      %mul3A_8 = arith.constant 2 : i32
      %mul3A_9 = arith.muli %add3A, %mul3A_8 : i32
      %add3A_10 = arith.addi %mul3A_9, %scan3A_7 : i32
      "tpu.region"() ({
        %run_scoped3A = tpu.sem_alloc : memref<!tpu.dma_semaphore, #tpu.memory_space<semaphore_mem>>
        %dma_start3A = arith.constant 0 : i32
        %dma_start3A_41 = arith.constant 0 : i32
        %dma_start3A_42 = tpu.memref_slice %arg2[%add3A_10, %dma_start3A, %dma_start3A_41] : memref<64x35x208xf32, #tpu.memory_space<hbm>> -> memref<1x35x208xf32, #tpu.memory_space<hbm>>
        %dma_start3A_43 = tpu.memref_squeeze %dma_start3A_42 : memref<1x35x208xf32, #tpu.memory_space<hbm>> -> memref<35x208xf32, #tpu.memory_space<hbm>>
        %dma_start3A_44 = arith.constant 0 : i32
        %dma_start3A_45 = arith.constant 0 : i32
        %dma_start3A_46 = tpu.memref_slice %arg2[%add3A_10, %dma_start3A_44, %dma_start3A_45] : memref<64x35x208xf32, #tpu.memory_space<hbm>> -> memref<1x35x208xf32, #tpu.memory_space<hbm>>
        %dma_start3A_47 = tpu.memref_squeeze %dma_start3A_46 : memref<1x35x208xf32, #tpu.memory_space<hbm>> -> memref<35x208xf32, #tpu.memory_space<hbm>>
        tpu.enqueue_dma source(%dma_start3A_47 : memref<35x208xf32, #tpu.memory_space<hbm>>) target(%arg6 : memref<35x208xf32, #tpu.memory_space<vmem>>) target_semaphore(%run_scoped3A : memref<!tpu.dma_semaphore, #tpu.memory_space<semaphore_mem>>)
        %dma_wait3A = arith.constant 0 : i32
        %dma_wait3A_48 = arith.constant 0 : i32
        %dma_wait3A_49 = tpu.memref_slice %arg2[%add3A_10, %dma_wait3A, %dma_wait3A_48] : memref<64x35x208xf32, #tpu.memory_space<hbm>> -> memref<1x35x208xf32, #tpu.memory_space<hbm>>
        %dma_wait3A_50 = tpu.memref_squeeze %dma_wait3A_49 : memref<1x35x208xf32, #tpu.memory_space<hbm>> -> memref<35x208xf32, #tpu.memory_space<hbm>>
        %dma_wait3A_51 = arith.constant 0 : i32
        %dma_wait3A_52 = arith.constant 0 : i32
        %dma_wait3A_53 = tpu.memref_slice %arg2[%add3A_10, %dma_wait3A_51, %dma_wait3A_52] : memref<64x35x208xf32, #tpu.memory_space<hbm>> -> memref<1x35x208xf32, #tpu.memory_space<hbm>>
        %dma_wait3A_54 = tpu.memref_squeeze %dma_wait3A_53 : memref<1x35x208xf32, #tpu.memory_space<hbm>> -> memref<35x208xf32, #tpu.memory_space<hbm>>
        tpu.wait_dma2 semaphore(%run_scoped3A : memref<!tpu.dma_semaphore, #tpu.memory_space<semaphore_mem>>) src(%dma_wait3A_54 : memref<35x208xf32, #tpu.memory_space<hbm>>) dst(%arg6 : memref<35x208xf32, #tpu.memory_space<vmem>>)
        tpu.yield
      }) : () -> ()
      "tpu.region"() ({
        %run_scoped3A = tpu.sem_alloc : memref<!tpu.dma_semaphore, #tpu.memory_space<semaphore_mem>>
        %dma_start3A = arith.constant 0 : i32
        %dma_start3A_41 = arith.constant 0 : i32
        %dma_start3A_42 = tpu.memref_slice %arg3[%add3A_10, %dma_start3A, %dma_start3A_41] : memref<64x7x208xf32, #tpu.memory_space<hbm>> -> memref<1x7x208xf32, #tpu.memory_space<hbm>>
        %dma_start3A_43 = tpu.memref_squeeze %dma_start3A_42 : memref<1x7x208xf32, #tpu.memory_space<hbm>> -> memref<7x208xf32, #tpu.memory_space<hbm>>
        %dma_start3A_44 = arith.constant 0 : i32
        %dma_start3A_45 = arith.constant 0 : i32
        %dma_start3A_46 = tpu.memref_slice %arg3[%add3A_10, %dma_start3A_44, %dma_start3A_45] : memref<64x7x208xf32, #tpu.memory_space<hbm>> -> memref<1x7x208xf32, #tpu.memory_space<hbm>>
        %dma_start3A_47 = tpu.memref_squeeze %dma_start3A_46 : memref<1x7x208xf32, #tpu.memory_space<hbm>> -> memref<7x208xf32, #tpu.memory_space<hbm>>
        tpu.enqueue_dma source(%dma_start3A_47 : memref<7x208xf32, #tpu.memory_space<hbm>>) target(%arg7 : memref<7x208xf32, #tpu.memory_space<vmem>>) target_semaphore(%run_scoped3A : memref<!tpu.dma_semaphore, #tpu.memory_space<semaphore_mem>>)
        %dma_wait3A = arith.constant 0 : i32
        %dma_wait3A_48 = arith.constant 0 : i32
        %dma_wait3A_49 = tpu.memref_slice %arg3[%add3A_10, %dma_wait3A, %dma_wait3A_48] : memref<64x7x208xf32, #tpu.memory_space<hbm>> -> memref<1x7x208xf32, #tpu.memory_space<hbm>>
        %dma_wait3A_50 = tpu.memref_squeeze %dma_wait3A_49 : memref<1x7x208xf32, #tpu.memory_space<hbm>> -> memref<7x208xf32, #tpu.memory_space<hbm>>
        %dma_wait3A_51 = arith.constant 0 : i32
        %dma_wait3A_52 = arith.constant 0 : i32
        %dma_wait3A_53 = tpu.memref_slice %arg3[%add3A_10, %dma_wait3A_51, %dma_wait3A_52] : memref<64x7x208xf32, #tpu.memory_space<hbm>> -> memref<1x7x208xf32, #tpu.memory_space<hbm>>
        %dma_wait3A_54 = tpu.memref_squeeze %dma_wait3A_53 : memref<1x7x208xf32, #tpu.memory_space<hbm>> -> memref<7x208xf32, #tpu.memory_space<hbm>>
        tpu.wait_dma2 semaphore(%run_scoped3A : memref<!tpu.dma_semaphore, #tpu.memory_space<semaphore_mem>>) src(%dma_wait3A_54 : memref<7x208xf32, #tpu.memory_space<hbm>>) dst(%arg7 : memref<7x208xf32, #tpu.memory_space<vmem>>)
        tpu.yield
      }) : () -> ()
      %scan3A_11 = arith.constant 0 : i32
      %scan3A_12 = arith.constant 0 : i32
      %scan3A_13 = arith.constant 64 : i32
      %scan3A_14 = arith.addi %scan3A_12, %scan3A_13 : i32
      %scan3A_15 = arith.constant 1 : i32
      scf.for %scan3A_41 = %scan3A_12 to %scan3A_14 step %scan3A_15  : i32 {
        %mul3A_42 = arith.constant 16 : i32
        %mul3A_43 = arith.muli %scan3A_41, %mul3A_42 : i32
        %swap3A_44 = arith.constant 0 : i32
        %swap3A_45 = arith.index_cast %swap3A_44 : i32 to index
        %swap3A_46 = arith.index_cast %mul3A_43 : i32 to index
        %swap3A_47 = tpu.vector_load %arg9[%swap3A_45, %swap3A_46] {strides = array<i32>} : memref<6x1024xf32, #tpu.memory_space<vmem>>, vector<16xf32>,
        tpu.vector_store %arg9[%swap3A_45, %swap3A_46], %broadcast_in_dim3A_1 {strides = array<i32>} : memref<6x1024xf32, #tpu.memory_space<vmem>>, vector<16xf32>,
        %swap3A_48 = arith.constant 1 : i32
        %swap3A_49 = arith.index_cast %swap3A_48 : i32 to index
        %swap3A_50 = arith.index_cast %mul3A_43 : i32 to index
        %swap3A_51 = tpu.vector_load %arg9[%swap3A_49, %swap3A_50] {strides = array<i32>} : memref<6x1024xf32, #tpu.memory_space<vmem>>, vector<16xf32>,
        tpu.vector_store %arg9[%swap3A_49, %swap3A_50], %broadcast_in_dim3A_1 {strides = array<i32>} : memref<6x1024xf32, #tpu.memory_space<vmem>>, vector<16xf32>,
        %swap3A_52 = arith.constant 2 : i32
        %swap3A_53 = arith.index_cast %swap3A_52 : i32 to index
        %swap3A_54 = arith.index_cast %mul3A_43 : i32 to index
        %swap3A_55 = tpu.vector_load %arg9[%swap3A_53, %swap3A_54] {strides = array<i32>} : memref<6x1024xf32, #tpu.memory_space<vmem>>, vector<16xf32>,
        tpu.vector_store %arg9[%swap3A_53, %swap3A_54], %broadcast_in_dim3A_1 {strides = array<i32>} : memref<6x1024xf32, #tpu.memory_space<vmem>>, vector<16xf32>,
        %swap3A_56 = arith.constant 3 : i32
        %swap3A_57 = arith.index_cast %swap3A_56 : i32 to index
        %swap3A_58 = arith.index_cast %mul3A_43 : i32 to index
        %swap3A_59 = tpu.vector_load %arg9[%swap3A_57, %swap3A_58] {strides = array<i32>} : memref<6x1024xf32, #tpu.memory_space<vmem>>, vector<16xf32>,
        tpu.vector_store %arg9[%swap3A_57, %swap3A_58], %broadcast_in_dim3A_1 {strides = array<i32>} : memref<6x1024xf32, #tpu.memory_space<vmem>>, vector<16xf32>,
        %swap3A_60 = arith.constant 4 : i32
        %swap3A_61 = arith.index_cast %swap3A_60 : i32 to index
        %swap3A_62 = arith.index_cast %mul3A_43 : i32 to index
        %swap3A_63 = tpu.vector_load %arg9[%swap3A_61, %swap3A_62] {strides = array<i32>} : memref<6x1024xf32, #tpu.memory_space<vmem>>, vector<16xf32>,
        tpu.vector_store %arg9[%swap3A_61, %swap3A_62], %broadcast_in_dim3A_1 {strides = array<i32>} : memref<6x1024xf32, #tpu.memory_space<vmem>>, vector<16xf32>,
        %swap3A_64 = arith.constant 5 : i32
        %swap3A_65 = arith.index_cast %swap3A_64 : i32 to index
        %swap3A_66 = arith.index_cast %mul3A_43 : i32 to index
        %swap3A_67 = tpu.vector_load %arg9[%swap3A_65, %swap3A_66] {strides = array<i32>} : memref<6x1024xf32, #tpu.memory_space<vmem>>, vector<16xf32>,
        tpu.vector_store %arg9[%swap3A_65, %swap3A_66], %broadcast_in_dim3A_1 {strides = array<i32>} : memref<6x1024xf32, #tpu.memory_space<vmem>>, vector<16xf32>,
      }
      %scan3A_16 = arith.constant 64 : i32
      %scan3A_17 = arith.constant 0 : i32
      %scan3A_18 = arith.constant 13 : i32
      %scan3A_19 = arith.addi %scan3A_17, %scan3A_18 : i32
      %scan3A_20 = arith.constant 1 : i32
      %scan3A_21:2 = scf.for %scan3A_41 = %scan3A_17 to %scan3A_19 step %scan3A_20 iter_args(%scan3A_42 = %broadcast_in_dim3A_1, %scan3A_43 = %broadcast_in_dim3A_1) -> (vector<16xf32>, vector<16xf32>)  : i32 {
        %mul3A_44 = arith.constant 16 : i32
        %mul3A_45 = arith.muli %scan3A_41, %mul3A_44 : i32
        %mul3A_46 = arith.constant 16 : i32
        %mul3A_47 = arith.muli %scan3A_41, %mul3A_46 : i32
        %add3A_48 = vector.broadcast %mul3A_47 : i32 to vector<16xi32>
        %add3A_49 = arith.addi %iota3A, %add3A_48 : vector<16xi32>
        %rem3A = arith.constant 14 : i32
        %rem3A_50 = vector.broadcast %rem3A : i32 to vector<16xi32>
        %rem3A_51 = arith.remsi %add3A_49, %rem3A_50 : vector<16xi32>
        %convert_element_type3A = arith.sitofp %rem3A_51 : vector<16xi32> to vector<16xf32>
        %div3A = arith.constant 14 : i32
        %div3A_52 = vector.broadcast %div3A : i32 to vector<16xi32>
        %div3A_53 = arith.divsi %add3A_49, %div3A_52 : vector<16xi32>
        %convert_element_type3A_54 = arith.sitofp %div3A_53 : vector<16xi32> to vector<16xf32>
        %get3A = arith.constant 0 : i32
        %get3A_55 = arith.index_cast %get3A : i32 to index
        %get3A_56 = arith.index_cast %mul3A_45 : i32 to index
        %get3A_57 = tpu.vector_load %arg7[%get3A_55, %get3A_56] {strides = array<i32>} : memref<7x208xf32, #tpu.memory_space<vmem>>, vector<16xf32>,
        %get3A_58 = arith.constant 3 : i32
        %get3A_59 = arith.index_cast %get3A_58 : i32 to index
        %get3A_60 = arith.index_cast %mul3A_45 : i32 to index
        %get3A_61 = tpu.vector_load %arg7[%get3A_59, %get3A_60] {strides = array<i32>} : memref<7x208xf32, #tpu.memory_space<vmem>>, vector<16xf32>,
        %get3A_62 = arith.constant 4 : i32
        %get3A_63 = arith.index_cast %get3A_62 : i32 to index
        %get3A_64 = arith.index_cast %mul3A_45 : i32 to index
        %get3A_65 = tpu.vector_load %arg7[%get3A_63, %get3A_64] {strides = array<i32>} : memref<7x208xf32, #tpu.memory_space<vmem>>, vector<16xf32>,
        %get3A_66 = arith.constant 5 : i32
        %get3A_67 = arith.index_cast %get3A_66 : i32 to index
        %get3A_68 = arith.index_cast %mul3A_45 : i32 to index
        %get3A_69 = tpu.vector_load %arg7[%get3A_67, %get3A_68] {strides = array<i32>} : memref<7x208xf32, #tpu.memory_space<vmem>>, vector<16xf32>,
        %get3A_70 = arith.constant 6 : i32
        %get3A_71 = arith.index_cast %get3A_70 : i32 to index
        %get3A_72 = arith.index_cast %mul3A_45 : i32 to index
        %get3A_73 = tpu.vector_load %arg7[%get3A_71, %get3A_72] {strides = array<i32>} : memref<7x208xf32, #tpu.memory_space<vmem>>, vector<16xf32>,
        %ne3A = arith.constant 0.000000e+00 : f32
        %ne3A_74 = vector.broadcast %ne3A : f32 to vector<16xf32>
        %ne3A_75 = arith.cmpf one, %get3A_57, %ne3A_74 : vector<16xf32>
        %jit3A_76 = arith.constant 1.000000e+00 : f32
        %jit3A_77 = arith.constant 0.000000e+00 : f32
        %broadcast_in_dim3A_78 = vector.broadcast %jit3A_76 : f32 to vector<16xf32>
        %broadcast_in_dim3A_79 = vector.broadcast %jit3A_77 : f32 to vector<16xf32>
        %select_n3A_80 = arith.select %ne3A_75, %broadcast_in_dim3A_78, %broadcast_in_dim3A_79 : vector<16xi1>, vector<16xf32>
        %add3A_81 = arith.addf %get3A_61, %convert_element_type3A : vector<16xf32>
        %add3A_82 = arith.addf %get3A_65, %convert_element_type3A_54 : vector<16xf32>
        %convert_element_type3A_83 = arith.fptosi %add3A_81 : vector<16xf32> to vector<16xi32>
        %convert_element_type3A_84 = arith.fptosi %add3A_82 : vector<16xf32> to vector<16xi32>
        %div3A_85 = arith.constant 1.400000e+01 : f32
        %div3A_86 = vector.broadcast %div3A_85 : f32 to vector<16xf32>
        %div3A_87 = arith.divf %add3A_81, %div3A_86 : vector<16xf32>
        %div3A_88 = arith.constant 1.400000e+01 : f32
        %div3A_89 = vector.broadcast %div3A_88 : f32 to vector<16xf32>
        %div3A_90 = arith.divf %add3A_82, %div3A_89 : vector<16xf32>
        %mul3A_91 = arith.constant 5.000000e-01 : f32
        %mul3A_92 = vector.broadcast %mul3A_91 : f32 to vector<16xf32>
        %mul3A_93 = arith.mulf %mul3A_92, %get3A_69 : vector<16xf32>
        %sub3A = arith.subf %div3A_87, %mul3A_93 : vector<16xf32>
        %mul3A_94 = arith.constant 5.000000e-01 : f32
        %mul3A_95 = vector.broadcast %mul3A_94 : f32 to vector<16xf32>
        %mul3A_96 = arith.mulf %mul3A_95, %get3A_69 : vector<16xf32>
        %add3A_97 = arith.addf %div3A_87, %mul3A_96 : vector<16xf32>
        %mul3A_98 = arith.constant 5.000000e-01 : f32
        %mul3A_99 = vector.broadcast %mul3A_98 : f32 to vector<16xf32>
        %mul3A_100 = arith.mulf %mul3A_99, %get3A_73 : vector<16xf32>
        %sub3A_101 = arith.subf %div3A_90, %mul3A_100 : vector<16xf32>
        %mul3A_102 = arith.constant 5.000000e-01 : f32
        %mul3A_103 = vector.broadcast %mul3A_102 : f32 to vector<16xf32>
        %mul3A_104 = arith.mulf %mul3A_103, %get3A_73 : vector<16xf32>
        %add3A_105 = arith.addf %div3A_90, %mul3A_104 : vector<16xf32>
        %mul3A_106 = arith.mulf %get3A_69, %get3A_73 : vector<16xf32>
        %mul3A_107 = arith.constant -6.000000e-01 : f32
        %mul3A_108 = vector.broadcast %mul3A_107 : f32 to vector<16xf32>
        %mul3A_109 = arith.mulf %mul3A_108, %mul3A_106 : vector<16xf32>
        %jit3A_110 = arith.constant -3.000000e+38 : f32
        %broadcast_in_dim3A_111 = vector.broadcast %jit3A_110 : f32 to vector<16xf32>
        %select_n3A_112 = arith.select %ne3A_75, %mul3A_109, %broadcast_in_dim3A_111 : vector<16xi1>, vector<16xf32>
        %swap3A_113 = arith.constant 0 : i32
        %swap3A_114 = arith.index_cast %swap3A_113 : i32 to index
        %swap3A_115 = arith.index_cast %mul3A_45 : i32 to index
        %swap3A_116 = tpu.vector_load %arg8[%swap3A_114, %swap3A_115] {strides = array<i32>} : memref<6x208xf32, #tpu.memory_space<vmem>>, vector<16xf32>,
        tpu.vector_store %arg8[%swap3A_114, %swap3A_115], %sub3A {strides = array<i32>} : memref<6x208xf32, #tpu.memory_space<vmem>>, vector<16xf32>,
        %swap3A_117 = arith.constant 1 : i32
        %swap3A_118 = arith.index_cast %swap3A_117 : i32 to index
        %swap3A_119 = arith.index_cast %mul3A_45 : i32 to index
        %swap3A_120 = tpu.vector_load %arg8[%swap3A_118, %swap3A_119] {strides = array<i32>} : memref<6x208xf32, #tpu.memory_space<vmem>>, vector<16xf32>,
        tpu.vector_store %arg8[%swap3A_118, %swap3A_119], %add3A_97 {strides = array<i32>} : memref<6x208xf32, #tpu.memory_space<vmem>>, vector<16xf32>,
        %swap3A_121 = arith.constant 2 : i32
        %swap3A_122 = arith.index_cast %swap3A_121 : i32 to index
        %swap3A_123 = arith.index_cast %mul3A_45 : i32 to index
        %swap3A_124 = tpu.vector_load %arg8[%swap3A_122, %swap3A_123] {strides = array<i32>} : memref<6x208xf32, #tpu.memory_space<vmem>>, vector<16xf32>,
        tpu.vector_store %arg8[%swap3A_122, %swap3A_123], %sub3A_101 {strides = array<i32>} : memref<6x208xf32, #tpu.memory_space<vmem>>, vector<16xf32>,
        %swap3A_125 = arith.constant 3 : i32
        %swap3A_126 = arith.index_cast %swap3A_125 : i32 to index
        %swap3A_127 = arith.index_cast %mul3A_45 : i32 to index
        %swap3A_128 = tpu.vector_load %arg8[%swap3A_126, %swap3A_127] {strides = array<i32>} : memref<6x208xf32, #tpu.memory_space<vmem>>, vector<16xf32>,
        tpu.vector_store %arg8[%swap3A_126, %swap3A_127], %add3A_105 {strides = array<i32>} : memref<6x208xf32, #tpu.memory_space<vmem>>, vector<16xf32>,
        %swap3A_129 = arith.constant 4 : i32
        %swap3A_130 = arith.index_cast %swap3A_129 : i32 to index
        %swap3A_131 = arith.index_cast %mul3A_45 : i32 to index
        %swap3A_132 = tpu.vector_load %arg8[%swap3A_130, %swap3A_131] {strides = array<i32>} : memref<6x208xf32, #tpu.memory_space<vmem>>, vector<16xf32>,
        tpu.vector_store %arg8[%swap3A_130, %swap3A_131], %select_n3A_112 {strides = array<i32>} : memref<6x208xf32, #tpu.memory_space<vmem>>, vector<16xf32>,
        %broadcast_in_dim3A_133 = arith.constant -1.000000e+00 : f32
        %broadcast_in_dim3A_134 = vector.broadcast %broadcast_in_dim3A_133 : f32 to vector<16xf32>
        %broadcast_in_dim3A_135 = arith.constant 0 : i32
        %broadcast_in_dim3A_136 = vector.broadcast %broadcast_in_dim3A_135 : i32 to vector<16xi32>
        %broadcast_in_dim3A_137 = arith.constant 0.082636714 : f32
        %broadcast_in_dim3A_138 = vector.broadcast %broadcast_in_dim3A_137 : f32 to vector<16xf32>
        %broadcast_in_dim3A_139 = arith.constant 0.108222656 : f32
        %broadcast_in_dim3A_140 = vector.broadcast %broadcast_in_dim3A_139 : f32 to vector<16xf32>
        %min3A = arith.constant 0.082636714 : f32
        %min3A_141 = vector.broadcast %min3A : f32 to vector<16xf32>
        %min3A_142 = arith.minimumf %get3A_69, %min3A_141 : vector<16xf32>
        %min3A_143 = arith.constant 0.108222656 : f32
        %min3A_144 = vector.broadcast %min3A_143 : f32 to vector<16xf32>
        %min3A_145 = arith.minimumf %get3A_73, %min3A_144 : vector<16xf32>
        %mul3A_146 = arith.mulf %min3A_142, %min3A_145 : vector<16xf32>
        %add3A_147 = arith.constant 0.00894316472 : f32
        %add3A_148 = vector.broadcast %add3A_147 : f32 to vector<16xf32>
        %add3A_149 = arith.addf %mul3A_106, %add3A_148 : vector<16xf32>
        %sub3A_150 = arith.subf %add3A_149, %mul3A_146 : vector<16xf32>
        %div3A_151 = arith.divf %mul3A_146, %sub3A_150 : vector<16xf32>
        %max3A = arith.constant 0.000000e+00 : f32
        %max3A_152 = vector.broadcast %max3A : f32 to vector<16xf32>
        %max3A_153 = arith.maximumf %div3A_151, %max3A_152 : vector<16xf32>
        %gt3A = arith.cmpf ogt, %max3A_153, %broadcast_in_dim3A_134 : vector<16xf32>
        %select_n3A_154 = arith.select %gt3A, %max3A_153, %broadcast_in_dim3A_134 : vector<16xi1>, vector<16xf32>
        %jit3A_155 = arith.constant 0 : i32
        %broadcast_in_dim3A_156 = vector.broadcast %jit3A_155 : i32 to vector<16xi32>
        %select_n3A_157 = arith.select %gt3A, %broadcast_in_dim3A_156, %broadcast_in_dim3A_136 : vector<16xi1>, vector<16xi32>
        %jit3A_158 = arith.constant 0.082636714 : f32
        %broadcast_in_dim3A_159 = vector.broadcast %jit3A_158 : f32 to vector<16xf32>
        %select_n3A_160 = arith.select %gt3A, %broadcast_in_dim3A_159, %broadcast_in_dim3A_138 : vector<16xi1>, vector<16xf32>
        %jit3A_161 = arith.constant 0.108222656 : f32
        %broadcast_in_dim3A_162 = vector.broadcast %jit3A_161 : f32 to vector<16xf32>
        %select_n3A_163 = arith.select %gt3A, %broadcast_in_dim3A_162, %broadcast_in_dim3A_140 : vector<16xi1>, vector<16xf32>
        %min3A_164 = arith.constant 0.199550763 : f32
        %min3A_165 = vector.broadcast %min3A_164 : f32 to vector<16xf32>
        %min3A_166 = arith.minimumf %get3A_69, %min3A_165 : vector<16xf32>
        %min3A_167 = arith.constant 0.250585943 : f32
        %min3A_168 = vector.broadcast %min3A_167 : f32 to vector<16xf32>
        %min3A_169 = arith.minimumf %get3A_73, %min3A_168 : vector<16xf32>
        %mul3A_170 = arith.mulf %min3A_166, %min3A_169 : vector<16xf32>
        %add3A_171 = arith.constant 0.0500046164 : f32
        %add3A_172 = vector.broadcast %add3A_171 : f32 to vector<16xf32>
        %add3A_173 = arith.addf %mul3A_106, %add3A_172 : vector<16xf32>
        %sub3A_174 = arith.subf %add3A_173, %mul3A_170 : vector<16xf32>
        %div3A_175 = arith.divf %mul3A_170, %sub3A_174 : vector<16xf32>
        %max3A_176 = arith.constant 0.000000e+00 : f32
        %max3A_177 = vector.broadcast %max3A_176 : f32 to vector<16xf32>
        %max3A_178 = arith.maximumf %div3A_175, %max3A_177 : vector<16xf32>
        %gt3A_179 = arith.cmpf ogt, %max3A_178, %select_n3A_154 : vector<16xf32>
        %select_n3A_180 = arith.select %gt3A_179, %max3A_178, %select_n3A_154 : vector<16xi1>, vector<16xf32>
        %jit3A_181 = arith.constant 1 : i32
        %broadcast_in_dim3A_182 = vector.broadcast %jit3A_181 : i32 to vector<16xi32>
        %select_n3A_183 = arith.select %gt3A_179, %broadcast_in_dim3A_182, %select_n3A_157 : vector<16xi1>, vector<16xi32>
        %jit3A_184 = arith.constant 0.199550763 : f32
        %broadcast_in_dim3A_185 = vector.broadcast %jit3A_184 : f32 to vector<16xf32>
        %select_n3A_186 = arith.select %gt3A_179, %broadcast_in_dim3A_185, %select_n3A_160 : vector<16xi1>, vector<16xf32>
        %jit3A_187 = arith.constant 0.250585943 : f32
        %broadcast_in_dim3A_188 = vector.broadcast %jit3A_187 : f32 to vector<16xf32>
        %select_n3A_189 = arith.select %gt3A_179, %broadcast_in_dim3A_188, %select_n3A_163 : vector<16xi1>, vector<16xf32>
        %min3A_190 = arith.constant 0.315996081 : f32
        %min3A_191 = vector.broadcast %min3A_190 : f32 to vector<16xf32>
        %min3A_192 = arith.minimumf %get3A_69, %min3A_191 : vector<16xf32>
        %min3A_193 = arith.constant 0.506191432 : f32
        %min3A_194 = vector.broadcast %min3A_193 : f32 to vector<16xf32>
        %min3A_195 = arith.minimumf %get3A_73, %min3A_194 : vector<16xf32>
        %mul3A_196 = arith.mulf %min3A_192, %min3A_195 : vector<16xf32>
        %add3A_197 = arith.constant 0.159954503 : f32
        %add3A_198 = vector.broadcast %add3A_197 : f32 to vector<16xf32>
        %add3A_199 = arith.addf %mul3A_106, %add3A_198 : vector<16xf32>
        %sub3A_200 = arith.subf %add3A_199, %mul3A_196 : vector<16xf32>
        %div3A_201 = arith.divf %mul3A_196, %sub3A_200 : vector<16xf32>
        %max3A_202 = arith.constant 0.000000e+00 : f32
        %max3A_203 = vector.broadcast %max3A_202 : f32 to vector<16xf32>
        %max3A_204 = arith.maximumf %div3A_201, %max3A_203 : vector<16xf32>
        %gt3A_205 = arith.cmpf ogt, %max3A_204, %select_n3A_180 : vector<16xf32>
        %select_n3A_206 = arith.select %gt3A_205, %max3A_204, %select_n3A_180 : vector<16xi1>, vector<16xf32>
        %jit3A_207 = arith.constant 2 : i32
        %broadcast_in_dim3A_208 = vector.broadcast %jit3A_207 : i32 to vector<16xi32>
        %select_n3A_209 = arith.select %gt3A_205, %broadcast_in_dim3A_208, %select_n3A_183 : vector<16xi1>, vector<16xi32>
        %jit3A_210 = arith.constant 0.315996081 : f32
        %broadcast_in_dim3A_211 = vector.broadcast %jit3A_210 : f32 to vector<16xf32>
        %select_n3A_212 = arith.select %gt3A_205, %broadcast_in_dim3A_211, %select_n3A_186 : vector<16xi1>, vector<16xf32>
        %jit3A_213 = arith.constant 0.506191432 : f32
        %broadcast_in_dim3A_214 = vector.broadcast %jit3A_213 : f32 to vector<16xf32>
        %select_n3A_215 = arith.select %gt3A_205, %broadcast_in_dim3A_214, %select_n3A_189 : vector<16xi1>, vector<16xf32>
        %min3A_216 = arith.constant 0.591953099 : f32
        %min3A_217 = vector.broadcast %min3A_216 : f32 to vector<16xf32>
        %min3A_218 = arith.minimumf %get3A_69, %min3A_217 : vector<16xf32>
        %min3A_219 = arith.constant 0.302539051 : f32
        %min3A_220 = vector.broadcast %min3A_219 : f32 to vector<16xf32>
        %min3A_221 = arith.minimumf %get3A_73, %min3A_220 : vector<16xf32>
        %mul3A_222 = arith.mulf %min3A_218, %min3A_221 : vector<16xf32>
        %add3A_223 = arith.constant 0.179088935 : f32
        %add3A_224 = vector.broadcast %add3A_223 : f32 to vector<16xf32>
        %add3A_225 = arith.addf %mul3A_106, %add3A_224 : vector<16xf32>
        %sub3A_226 = arith.subf %add3A_225, %mul3A_222 : vector<16xf32>
        %div3A_227 = arith.divf %mul3A_222, %sub3A_226 : vector<16xf32>
        %max3A_228 = arith.constant 0.000000e+00 : f32
        %max3A_229 = vector.broadcast %max3A_228 : f32 to vector<16xf32>
        %max3A_230 = arith.maximumf %div3A_227, %max3A_229 : vector<16xf32>
        %gt3A_231 = arith.cmpf ogt, %max3A_230, %select_n3A_206 : vector<16xf32>
        %select_n3A_232 = arith.select %gt3A_231, %max3A_230, %select_n3A_206 : vector<16xi1>, vector<16xf32>
        %jit3A_233 = arith.constant 3 : i32
        %broadcast_in_dim3A_234 = vector.broadcast %jit3A_233 : i32 to vector<16xi32>
        %select_n3A_235 = arith.select %gt3A_231, %broadcast_in_dim3A_234, %select_n3A_209 : vector<16xi1>, vector<16xi32>
        %jit3A_236 = arith.constant 0.591953099 : f32
        %broadcast_in_dim3A_237 = vector.broadcast %jit3A_236 : f32 to vector<16xf32>
        %select_n3A_238 = arith.select %gt3A_231, %broadcast_in_dim3A_237, %select_n3A_212 : vector<16xi1>, vector<16xf32>
        %jit3A_239 = arith.constant 0.302539051 : f32
        %broadcast_in_dim3A_240 = vector.broadcast %jit3A_239 : f32 to vector<16xf32>
        %select_n3A_241 = arith.select %gt3A_231, %broadcast_in_dim3A_240, %select_n3A_215 : vector<16xi1>, vector<16xf32>
        %min3A_242 = arith.constant 0.70226562 : f32
        %min3A_243 = vector.broadcast %min3A_242 : f32 to vector<16xf32>
        %min3A_244 = arith.minimumf %get3A_69, %min3A_243 : vector<16xf32>
        %min3A_245 = arith.constant 0.625449181 : f32
        %min3A_246 = vector.broadcast %min3A_245 : f32 to vector<16xf32>
        %min3A_247 = arith.minimumf %get3A_73, %min3A_246 : vector<16xf32>
        %mul3A_248 = arith.mulf %min3A_244, %min3A_247 : vector<16xf32>
        %add3A_249 = arith.constant 0.439231455 : f32
        %add3A_250 = vector.broadcast %add3A_249 : f32 to vector<16xf32>
        %add3A_251 = arith.addf %mul3A_106, %add3A_250 : vector<16xf32>
        %sub3A_252 = arith.subf %add3A_251, %mul3A_248 : vector<16xf32>
        %div3A_253 = arith.divf %mul3A_248, %sub3A_252 : vector<16xf32>
        %max3A_254 = arith.constant 0.000000e+00 : f32
        %max3A_255 = vector.broadcast %max3A_254 : f32 to vector<16xf32>
        %max3A_256 = arith.maximumf %div3A_253, %max3A_255 : vector<16xf32>
        %gt3A_257 = arith.cmpf ogt, %max3A_256, %select_n3A_232 : vector<16xf32>
        %select_n3A_258 = arith.select %gt3A_257, %max3A_256, %select_n3A_232 : vector<16xi1>, vector<16xf32>
        %jit3A_259 = arith.constant 4 : i32
        %broadcast_in_dim3A_260 = vector.broadcast %jit3A_259 : i32 to vector<16xi32>
        %select_n3A_261 = arith.select %gt3A_257, %broadcast_in_dim3A_260, %select_n3A_235 : vector<16xi1>, vector<16xi32>
        %jit3A_262 = arith.constant 0.70226562 : f32
        %broadcast_in_dim3A_263 = vector.broadcast %jit3A_262 : f32 to vector<16xf32>
        %select_n3A_264 = arith.select %gt3A_257, %broadcast_in_dim3A_263, %select_n3A_238 : vector<16xi1>, vector<16xf32>
        %jit3A_265 = arith.constant 0.625449181 : f32
        %broadcast_in_dim3A_266 = vector.broadcast %jit3A_265 : f32 to vector<16xf32>
        %select_n3A_267 = arith.select %gt3A_257, %broadcast_in_dim3A_266, %select_n3A_241 : vector<16xi1>, vector<16xf32>
        %min3A_268 = arith.constant 13 : i32
        %min3A_269 = vector.broadcast %min3A_268 : i32 to vector<16xi32>
        %min3A_270 = arith.minsi %convert_element_type3A_83, %min3A_269 : vector<16xi32>
        %min3A_271 = arith.constant 13 : i32
        %min3A_272 = vector.broadcast %min3A_271 : i32 to vector<16xi32>
        %min3A_273 = arith.minsi %convert_element_type3A_84, %min3A_272 : vector<16xi32>
        %mul3A_274 = arith.constant 14 : i32
        %mul3A_275 = vector.broadcast %mul3A_274 : i32 to vector<16xi32>
        %mul3A_276 = arith.muli %min3A_273, %mul3A_275 : vector<16xi32>
        %add3A_277 = arith.addi %mul3A_276, %min3A_270 : vector<16xi32>
        %mul3A_278 = arith.constant 7 : i32
        %mul3A_279 = vector.broadcast %mul3A_278 : i32 to vector<16xi32>
        %mul3A_280 = arith.muli %select_n3A_261, %mul3A_279 : vector<16xi32>
        %gather3A = tpu.vector_load_idx %arg6[%mul3A_280, %add3A_277] : memref<35x208xf32, #tpu.memory_space<vmem>>[vector<16xi32>, vector<16xi32>], vector<16xf32>,
        %add3A_281 = arith.constant 1 : i32
        %add3A_282 = vector.broadcast %add3A_281 : i32 to vector<16xi32>
        %add3A_283 = arith.addi %mul3A_280, %add3A_282 : vector<16xi32>
        %gather3A_284 = tpu.vector_load_idx %arg6[%add3A_283, %add3A_277] : memref<35x208xf32, #tpu.memory_space<vmem>>[vector<16xi32>, vector<16xi32>], vector<16xf32>,
        %add3A_285 = arith.constant 2 : i32
        %add3A_286 = vector.broadcast %add3A_285 : i32 to vector<16xi32>
        %add3A_287 = arith.addi %mul3A_280, %add3A_286 : vector<16xi32>
        %gather3A_288 = tpu.vector_load_idx %arg6[%add3A_287, %add3A_277] : memref<35x208xf32, #tpu.memory_space<vmem>>[vector<16xi32>, vector<16xi32>], vector<16xf32>,
        %add3A_289 = arith.constant 3 : i32
        %add3A_290 = vector.broadcast %add3A_289 : i32 to vector<16xi32>
        %add3A_291 = arith.addi %mul3A_280, %add3A_290 : vector<16xi32>
        %gather3A_292 = tpu.vector_load_idx %arg6[%add3A_291, %add3A_277] : memref<35x208xf32, #tpu.memory_space<vmem>>[vector<16xi32>, vector<16xi32>], vector<16xf32>,
        %add3A_293 = arith.constant 4 : i32
        %add3A_294 = vector.broadcast %add3A_293 : i32 to vector<16xi32>
        %add3A_295 = arith.addi %mul3A_280, %add3A_294 : vector<16xi32>
        %gather3A_296 = tpu.vector_load_idx %arg6[%add3A_295, %add3A_277] : memref<35x208xf32, #tpu.memory_space<vmem>>[vector<16xi32>, vector<16xi32>], vector<16xf32>,
        %add3A_297 = arith.constant 5 : i32
        %add3A_298 = vector.broadcast %add3A_297 : i32 to vector<16xi32>
        %add3A_299 = arith.addi %mul3A_280, %add3A_298 : vector<16xi32>
        %gather3A_300 = tpu.vector_load_idx %arg6[%add3A_299, %add3A_277] : memref<35x208xf32, #tpu.memory_space<vmem>>[vector<16xi32>, vector<16xi32>], vector<16xf32>,
        %add3A_301 = arith.constant 6 : i32
        %add3A_302 = vector.broadcast %add3A_301 : i32 to vector<16xi32>
        %add3A_303 = arith.addi %mul3A_280, %add3A_302 : vector<16xi32>
        %gather3A_304 = tpu.vector_load_idx %arg6[%add3A_303, %add3A_277] : memref<35x208xf32, #tpu.memory_space<vmem>>[vector<16xi32>, vector<16xi32>], vector<16xf32>,
        %broadcast_in_dim3A_305 = arith.constant 1 : i32
        %broadcast_in_dim3A_306 = vector.broadcast %broadcast_in_dim3A_305 : i32 to vector<16xi32>
        %gather3A_307 = tpu.vector_load_idx %arg7[%broadcast_in_dim3A_306, %add3A_277] : memref<7x208xf32, #tpu.memory_space<vmem>>[vector<16xi32>, vector<16xi32>], vector<16xf32>,
        %add3A_308 = arith.constant 1 : i32
        %add3A_309 = vector.broadcast %add3A_308 : i32 to vector<16xi32>
        %add3A_310 = arith.addi %broadcast_in_dim3A_306, %add3A_309 : vector<16xi32>
        %gather3A_311 = tpu.vector_load_idx %arg7[%add3A_310, %add3A_277] : memref<7x208xf32, #tpu.memory_space<vmem>>[vector<16xi32>, vector<16xi32>], vector<16xf32>,
        %neg3A = arith.constant 0.000000e+00 : f32
        %neg3A_312 = vector.broadcast %neg3A : f32 to vector<16xf32>
        %neg3A_313 = arith.subf %neg3A_312, %gather3A_292 : vector<16xf32>
        %exp3A = math.exp %neg3A_313 : vector<16xf32>
        %add3A_314 = arith.constant 1.000000e+00 : f32
        %add3A_315 = vector.broadcast %add3A_314 : f32 to vector<16xf32>
        %add3A_316 = arith.addf %add3A_315, %exp3A : vector<16xf32>
        %div3A_317 = arith.constant 1.000000e+00 : f32
        %div3A_318 = vector.broadcast %div3A_317 : f32 to vector<16xf32>
        %div3A_319 = arith.divf %div3A_318, %add3A_316 : vector<16xf32>
        %neg3A_320 = arith.constant 0.000000e+00 : f32
        %neg3A_321 = vector.broadcast %neg3A_320 : f32 to vector<16xf32>
        %neg3A_322 = arith.subf %neg3A_321, %gather3A_296 : vector<16xf32>
        %exp3A_323 = math.exp %neg3A_322 : vector<16xf32>
        %add3A_324 = arith.constant 1.000000e+00 : f32
        %add3A_325 = vector.broadcast %add3A_324 : f32 to vector<16xf32>
        %add3A_326 = arith.addf %add3A_325, %exp3A_323 : vector<16xf32>
        %div3A_327 = arith.constant 1.000000e+00 : f32
        %div3A_328 = vector.broadcast %div3A_327 : f32 to vector<16xf32>
        %div3A_329 = arith.divf %div3A_328, %add3A_326 : vector<16xf32>
        %div3A_330 = arith.divf %get3A_69, %select_n3A_264 : vector<16xf32>
        %bitcast_convert_type3A = tpu.bitcast %div3A_330 : vector<16xf32> -> vector<16xi32>
        %shift_right_arithmetic3A = arith.constant 23 : i32
        %shift_right_arithmetic3A_331 = vector.broadcast %shift_right_arithmetic3A : i32 to vector<16xi32>
        %shift_right_arithmetic3A_332 = arith.shrsi %bitcast_convert_type3A, %shift_right_arithmetic3A_331 : vector<16xi32>
        %and3A = arith.constant 255 : i32
        %and3A_333 = vector.broadcast %and3A : i32 to vector<16xi32>
        %and3A_334 = arith.andi %shift_right_arithmetic3A_332, %and3A_333 : vector<16xi32>
        %sub3A_335 = arith.constant 127 : i32
        %sub3A_336 = vector.broadcast %sub3A_335 : i32 to vector<16xi32>
        %sub3A_337 = arith.subi %and3A_334, %sub3A_336 : vector<16xi32>
        %and3A_338 = arith.constant 8388607 : i32
        %and3A_339 = vector.broadcast %and3A_338 : i32 to vector<16xi32>
        %and3A_340 = arith.andi %bitcast_convert_type3A, %and3A_339 : vector<16xi32>
        %or3A = arith.constant 1065353216 : i32
        %or3A_341 = vector.broadcast %or3A : i32 to vector<16xi32>
        %or3A_342 = arith.ori %and3A_340, %or3A_341 : vector<16xi32>
        %bitcast_convert_type3A_343 = tpu.bitcast %or3A_342 : vector<16xi32> -> vector<16xf32>
        %sub3A_344 = arith.constant 1.000000e+00 : f32
        %sub3A_345 = vector.broadcast %sub3A_344 : f32 to vector<16xf32>
        %sub3A_346 = arith.subf %bitcast_convert_type3A_343, %sub3A_345 : vector<16xf32>
        %add3A_347 = arith.constant 1.000000e+00 : f32
        %add3A_348 = vector.broadcast %add3A_347 : f32 to vector<16xf32>
        %add3A_349 = arith.addf %bitcast_convert_type3A_343, %add3A_348 : vector<16xf32>
        %div3A_350 = arith.divf %sub3A_346, %add3A_349 : vector<16xf32>
        %mul3A_351 = arith.mulf %div3A_350, %div3A_350 : vector<16xf32>
        %mul3A_352 = arith.constant 0.111111112 : f32
        %mul3A_353 = vector.broadcast %mul3A_352 : f32 to vector<16xf32>
        %mul3A_354 = arith.mulf %mul3A_351, %mul3A_353 : vector<16xf32>
        %add3A_355 = arith.constant 0.142857149 : f32
        %add3A_356 = vector.broadcast %add3A_355 : f32 to vector<16xf32>
        %add3A_357 = arith.addf %add3A_356, %mul3A_354 : vector<16xf32>
        %mul3A_358 = arith.mulf %mul3A_351, %add3A_357 : vector<16xf32>
        %add3A_359 = arith.constant 2.000000e-01 : f32
        %add3A_360 = vector.broadcast %add3A_359 : f32 to vector<16xf32>
        %add3A_361 = arith.addf %add3A_360, %mul3A_358 : vector<16xf32>
        %mul3A_362 = arith.mulf %mul3A_351, %add3A_361 : vector<16xf32>
        %add3A_363 = arith.constant 0.333333343 : f32
        %add3A_364 = vector.broadcast %add3A_363 : f32 to vector<16xf32>
        %add3A_365 = arith.addf %add3A_364, %mul3A_362 : vector<16xf32>
        %mul3A_366 = arith.mulf %mul3A_351, %add3A_365 : vector<16xf32>
        %add3A_367 = arith.constant 1.000000e+00 : f32
        %add3A_368 = vector.broadcast %add3A_367 : f32 to vector<16xf32>
        %add3A_369 = arith.addf %add3A_368, %mul3A_366 : vector<16xf32>
        %convert_element_type3A_370 = arith.sitofp %sub3A_337 : vector<16xi32> to vector<16xf32>
        %mul3A_371 = arith.constant 0.693147182 : f32
        %mul3A_372 = vector.broadcast %mul3A_371 : f32 to vector<16xf32>
        %mul3A_373 = arith.mulf %convert_element_type3A_370, %mul3A_372 : vector<16xf32>
        %mul3A_374 = arith.constant 2.000000e+00 : f32
        %mul3A_375 = vector.broadcast %mul3A_374 : f32 to vector<16xf32>
        %mul3A_376 = arith.mulf %mul3A_375, %div3A_350 : vector<16xf32>
        %mul3A_377 = arith.mulf %mul3A_376, %add3A_369 : vector<16xf32>
        %add3A_378 = arith.addf %mul3A_373, %mul3A_377 : vector<16xf32>
        %gt3A_379 = arith.constant 0.000000e+00 : f32
        %gt3A_380 = vector.broadcast %gt3A_379 : f32 to vector<16xf32>
        %gt3A_381 = arith.cmpf ogt, %div3A_330, %gt3A_380 : vector<16xf32>
        %jit3A_382 = arith.constant 0xFF800000 : f32
        %broadcast_in_dim3A_383 = vector.broadcast %jit3A_382 : f32 to vector<16xf32>
        %select_n3A_384 = arith.select %gt3A_381, %add3A_378, %broadcast_in_dim3A_383 : vector<16xi1>, vector<16xf32>
        %div3A_385 = arith.divf %get3A_73, %select_n3A_267 : vector<16xf32>
        %bitcast_convert_type3A_386 = tpu.bitcast %div3A_385 : vector<16xf32> -> vector<16xi32>
        %shift_right_arithmetic3A_387 = arith.constant 23 : i32
        %shift_right_arithmetic3A_388 = vector.broadcast %shift_right_arithmetic3A_387 : i32 to vector<16xi32>
        %shift_right_arithmetic3A_389 = arith.shrsi %bitcast_convert_type3A_386, %shift_right_arithmetic3A_388 : vector<16xi32>
        %and3A_390 = arith.constant 255 : i32
        %and3A_391 = vector.broadcast %and3A_390 : i32 to vector<16xi32>
        %and3A_392 = arith.andi %shift_right_arithmetic3A_389, %and3A_391 : vector<16xi32>
        %sub3A_393 = arith.constant 127 : i32
        %sub3A_394 = vector.broadcast %sub3A_393 : i32 to vector<16xi32>
        %sub3A_395 = arith.subi %and3A_392, %sub3A_394 : vector<16xi32>
        %and3A_396 = arith.constant 8388607 : i32
        %and3A_397 = vector.broadcast %and3A_396 : i32 to vector<16xi32>
        %and3A_398 = arith.andi %bitcast_convert_type3A_386, %and3A_397 : vector<16xi32>
        %or3A_399 = arith.constant 1065353216 : i32
        %or3A_400 = vector.broadcast %or3A_399 : i32 to vector<16xi32>
        %or3A_401 = arith.ori %and3A_398, %or3A_400 : vector<16xi32>
        %bitcast_convert_type3A_402 = tpu.bitcast %or3A_401 : vector<16xi32> -> vector<16xf32>
        %sub3A_403 = arith.constant 1.000000e+00 : f32
        %sub3A_404 = vector.broadcast %sub3A_403 : f32 to vector<16xf32>
        %sub3A_405 = arith.subf %bitcast_convert_type3A_402, %sub3A_404 : vector<16xf32>
        %add3A_406 = arith.constant 1.000000e+00 : f32
        %add3A_407 = vector.broadcast %add3A_406 : f32 to vector<16xf32>
        %add3A_408 = arith.addf %bitcast_convert_type3A_402, %add3A_407 : vector<16xf32>
        %div3A_409 = arith.divf %sub3A_405, %add3A_408 : vector<16xf32>
        %mul3A_410 = arith.mulf %div3A_409, %div3A_409 : vector<16xf32>
        %mul3A_411 = arith.constant 0.111111112 : f32
        %mul3A_412 = vector.broadcast %mul3A_411 : f32 to vector<16xf32>
        %mul3A_413 = arith.mulf %mul3A_410, %mul3A_412 : vector<16xf32>
        %add3A_414 = arith.constant 0.142857149 : f32
        %add3A_415 = vector.broadcast %add3A_414 : f32 to vector<16xf32>
        %add3A_416 = arith.addf %add3A_415, %mul3A_413 : vector<16xf32>
        %mul3A_417 = arith.mulf %mul3A_410, %add3A_416 : vector<16xf32>
        %add3A_418 = arith.constant 2.000000e-01 : f32
        %add3A_419 = vector.broadcast %add3A_418 : f32 to vector<16xf32>
        %add3A_420 = arith.addf %add3A_419, %mul3A_417 : vector<16xf32>
        %mul3A_421 = arith.mulf %mul3A_410, %add3A_420 : vector<16xf32>
        %add3A_422 = arith.constant 0.333333343 : f32
        %add3A_423 = vector.broadcast %add3A_422 : f32 to vector<16xf32>
        %add3A_424 = arith.addf %add3A_423, %mul3A_421 : vector<16xf32>
        %mul3A_425 = arith.mulf %mul3A_410, %add3A_424 : vector<16xf32>
        %add3A_426 = arith.constant 1.000000e+00 : f32
        %add3A_427 = vector.broadcast %add3A_426 : f32 to vector<16xf32>
        %add3A_428 = arith.addf %add3A_427, %mul3A_425 : vector<16xf32>
        %convert_element_type3A_429 = arith.sitofp %sub3A_395 : vector<16xi32> to vector<16xf32>
        %mul3A_430 = arith.constant 0.693147182 : f32
        %mul3A_431 = vector.broadcast %mul3A_430 : f32 to vector<16xf32>
        %mul3A_432 = arith.mulf %convert_element_type3A_429, %mul3A_431 : vector<16xf32>
        %mul3A_433 = arith.constant 2.000000e+00 : f32
        %mul3A_434 = vector.broadcast %mul3A_433 : f32 to vector<16xf32>
        %mul3A_435 = arith.mulf %mul3A_434, %div3A_409 : vector<16xf32>
        %mul3A_436 = arith.mulf %mul3A_435, %add3A_428 : vector<16xf32>
        %add3A_437 = arith.addf %mul3A_432, %mul3A_436 : vector<16xf32>
        %gt3A_438 = arith.constant 0.000000e+00 : f32
        %gt3A_439 = vector.broadcast %gt3A_438 : f32 to vector<16xf32>
        %gt3A_440 = arith.cmpf ogt, %div3A_385, %gt3A_439 : vector<16xf32>
        %jit3A_441 = arith.constant 0xFF800000 : f32
        %broadcast_in_dim3A_442 = vector.broadcast %jit3A_441 : f32 to vector<16xf32>
        %select_n3A_443 = arith.select %gt3A_440, %add3A_437, %broadcast_in_dim3A_442 : vector<16xi1>, vector<16xf32>
        %convert_element_type3A_444 = arith.sitofp %convert_element_type3A_83 : vector<16xi32> to vector<16xf32>
        %sub3A_445 = arith.subf %add3A_81, %convert_element_type3A_444 : vector<16xf32>
        %convert_element_type3A_446 = arith.sitofp %convert_element_type3A_84 : vector<16xi32> to vector<16xf32>
        %sub3A_447 = arith.subf %add3A_82, %convert_element_type3A_446 : vector<16xf32>
        %mul3A_448 = arith.mulf %sub3A_445, %sub3A_447 : vector<16xf32>
        %sub3A_449 = arith.constant 2.000000e+00 : f32
        %sub3A_450 = vector.broadcast %sub3A_449 : f32 to vector<16xf32>
        %sub3A_451 = arith.subf %sub3A_450, %mul3A_448 : vector<16xf32>
        %convert_element_type3A_452 = arith.sitofp %min3A_270 : vector<16xi32> to vector<16xf32>
        %add3A_453 = arith.addf %div3A_319, %convert_element_type3A_452 : vector<16xf32>
        %div3A_454 = arith.constant 1.400000e+01 : f32
        %div3A_455 = vector.broadcast %div3A_454 : f32 to vector<16xf32>
        %div3A_456 = arith.divf %add3A_453, %div3A_455 : vector<16xf32>
        %convert_element_type3A_457 = arith.sitofp %min3A_273 : vector<16xi32> to vector<16xf32>
        %add3A_458 = arith.addf %div3A_329, %convert_element_type3A_457 : vector<16xf32>
        %div3A_459 = arith.constant 1.400000e+01 : f32
        %div3A_460 = vector.broadcast %div3A_459 : f32 to vector<16xf32>
        %div3A_461 = arith.divf %add3A_458, %div3A_460 : vector<16xf32>
        %exp3A_462 = math.exp %gather3A_300 : vector<16xf32>
        %mul3A_463 = arith.mulf %exp3A_462, %select_n3A_264 : vector<16xf32>
        %exp3A_464 = math.exp %gather3A_304 : vector<16xf32>
        %mul3A_465 = arith.mulf %exp3A_464, %select_n3A_267 : vector<16xf32>
        %mul3A_466 = arith.constant 5.000000e-01 : f32
        %mul3A_467 = vector.broadcast %mul3A_466 : f32 to vector<16xf32>
        %mul3A_468 = arith.mulf %mul3A_467, %mul3A_463 : vector<16xf32>
        %sub3A_469 = arith.subf %div3A_456, %mul3A_468 : vector<16xf32>
        %mul3A_470 = arith.constant 5.000000e-01 : f32
        %mul3A_471 = vector.broadcast %mul3A_470 : f32 to vector<16xf32>
        %mul3A_472 = arith.mulf %mul3A_471, %mul3A_463 : vector<16xf32>
        %add3A_473 = arith.addf %div3A_456, %mul3A_472 : vector<16xf32>
        %mul3A_474 = arith.constant 5.000000e-01 : f32
        %mul3A_475 = vector.broadcast %mul3A_474 : f32 to vector<16xf32>
        %mul3A_476 = arith.mulf %mul3A_475, %mul3A_465 : vector<16xf32>
        %sub3A_477 = arith.subf %div3A_461, %mul3A_476 : vector<16xf32>
        %mul3A_478 = arith.constant 5.000000e-01 : f32
        %mul3A_479 = vector.broadcast %mul3A_478 : f32 to vector<16xf32>
        %mul3A_480 = arith.mulf %mul3A_479, %mul3A_465 : vector<16xf32>
        %add3A_481 = arith.addf %div3A_461, %mul3A_480 : vector<16xf32>
        %max3A_482 = arith.maximumf %sub3A_469, %sub3A : vector<16xf32>
        %min3A_483 = arith.minimumf %add3A_473, %add3A_97 : vector<16xf32>
        %max3A_484 = arith.maximumf %sub3A_477, %sub3A_101 : vector<16xf32>
        %min3A_485 = arith.minimumf %add3A_481, %add3A_105 : vector<16xf32>
        %sub3A_486 = arith.subf %min3A_483, %max3A_482 : vector<16xf32>
        %max3A_487 = arith.constant 0.000000e+00 : f32
        %max3A_488 = vector.broadcast %max3A_487 : f32 to vector<16xf32>
        %max3A_489 = arith.maximumf %sub3A_486, %max3A_488 : vector<16xf32>
        %sub3A_490 = arith.subf %min3A_485, %max3A_484 : vector<16xf32>
        %max3A_491 = arith.constant 0.000000e+00 : f32
        %max3A_492 = vector.broadcast %max3A_491 : f32 to vector<16xf32>
        %max3A_493 = arith.maximumf %sub3A_490, %max3A_492 : vector<16xf32>
        %mul3A_494 = arith.mulf %max3A_489, %max3A_493 : vector<16xf32>
        %mul3A_495 = arith.mulf %mul3A_463, %mul3A_465 : vector<16xf32>
        %add3A_496 = arith.addf %mul3A_495, %mul3A_106 : vector<16xf32>
        %sub3A_497 = arith.subf %add3A_496, %mul3A_494 : vector<16xf32>
        %div3A_498 = arith.divf %mul3A_494, %sub3A_497 : vector<16xf32>
        %max3A_499 = arith.constant 0.000000e+00 : f32
        %max3A_500 = vector.broadcast %max3A_499 : f32 to vector<16xf32>
        %max3A_501 = arith.maximumf %div3A_498, %max3A_500 : vector<16xf32>
        %sub3A_502 = arith.subf %gather3A, %max3A_501 : vector<16xf32>
        %mul3A_503 = arith.constant 5.000000e+00 : f32
        %mul3A_504 = vector.broadcast %mul3A_503 : f32 to vector<16xf32>
        %mul3A_505 = arith.mulf %mul3A_504, %sub3A_502 : vector<16xf32>
        %sub3A_506 = arith.subf %div3A_319, %sub3A_445 : vector<16xf32>
        %mul3A_507 = arith.mulf %sub3A_451, %sub3A_506 : vector<16xf32>
        %sub3A_508 = arith.subf %div3A_329, %sub3A_447 : vector<16xf32>
        %mul3A_509 = arith.mulf %sub3A_451, %sub3A_508 : vector<16xf32>
        %sub3A_510 = arith.subf %gather3A_300, %select_n3A_384 : vector<16xf32>
        %mul3A_511 = arith.mulf %sub3A_451, %sub3A_510 : vector<16xf32>
        %sub3A_512 = arith.subf %gather3A_304, %select_n3A_443 : vector<16xf32>
        %mul3A_513 = arith.mulf %sub3A_451, %sub3A_512 : vector<16xf32>
        %sub3A_514 = arith.subf %gather3A_284, %gather3A_307 : vector<16xf32>
        %sub3A_515 = arith.subf %gather3A_284, %gather3A_307 : vector<16xf32>
        %mul3A_516 = arith.mulf %sub3A_514, %sub3A_515 : vector<16xf32>
        %sub3A_517 = arith.subf %gather3A_288, %gather3A_311 : vector<16xf32>
        %sub3A_518 = arith.subf %gather3A_288, %gather3A_311 : vector<16xf32>
        %mul3A_519 = arith.mulf %sub3A_517, %sub3A_518 : vector<16xf32>
        %add3A_520 = arith.addf %mul3A_516, %mul3A_519 : vector<16xf32>
        %le3A = arith.constant 13 : i32
        %le3A_521 = vector.broadcast %le3A : i32 to vector<16xi32>
        %le3A_522 = arith.cmpi sle, %convert_element_type3A_83, %le3A_521 : vector<16xi32>
        %and3A_523 = arith.andi %ne3A_75, %le3A_522 : vector<16xi1>
        %le3A_524 = arith.constant 13 : i32
        %le3A_525 = vector.broadcast %le3A_524 : i32 to vector<16xi32>
        %le3A_526 = arith.cmpi sle, %convert_element_type3A_84, %le3A_525 : vector<16xi32>
        %and3A_527 = arith.andi %and3A_523, %le3A_526 : vector<16xi1>
        %mul3A_528 = arith.constant 196 : i32
        %mul3A_529 = vector.broadcast %mul3A_528 : i32 to vector<16xi32>
        %mul3A_530 = arith.muli %select_n3A_261, %mul3A_529 : vector<16xi32>
        %mul3A_531 = arith.constant 14 : i32
        %mul3A_532 = vector.broadcast %mul3A_531 : i32 to vector<16xi32>
        %mul3A_533 = arith.muli %min3A_273, %mul3A_532 : vector<16xi32>
        %add3A_534 = arith.addi %mul3A_530, %mul3A_533 : vector<16xi32>
        %add3A_535 = arith.addi %add3A_534, %min3A_270 : vector<16xi32>
        %broadcast_in_dim3A_536 = arith.constant 1.000000e+00 : f32
        %broadcast_in_dim3A_537 = vector.broadcast %broadcast_in_dim3A_536 : f32 to vector<16xf32>
        %broadcast_in_dim3A_538 = arith.constant 0 : i32
        %broadcast_in_dim3A_539 = vector.broadcast %broadcast_in_dim3A_538 : i32 to vector<16xi32>
        tpu.vector_store_idx %arg9[%broadcast_in_dim3A_539, %add3A_535], %mul3A_507 masked %and3A_527 {add = true} : memref<6x1024xf32, #tpu.memory_space<vmem>>[vector<16xi32>, vector<16xi32>], vector<16xf32>, vector<16xi1>
        %broadcast_in_dim3A_540 = arith.constant 1 : i32
        %broadcast_in_dim3A_541 = vector.broadcast %broadcast_in_dim3A_540 : i32 to vector<16xi32>
        tpu.vector_store_idx %arg9[%broadcast_in_dim3A_541, %add3A_535], %mul3A_509 masked %and3A_527 {add = true} : memref<6x1024xf32, #tpu.memory_space<vmem>>[vector<16xi32>, vector<16xi32>], vector<16xf32>, vector<16xi1>
        %broadcast_in_dim3A_542 = arith.constant 2 : i32
        %broadcast_in_dim3A_543 = vector.broadcast %broadcast_in_dim3A_542 : i32 to vector<16xi32>
        tpu.vector_store_idx %arg9[%broadcast_in_dim3A_543, %add3A_535], %mul3A_511 masked %and3A_527 {add = true} : memref<6x1024xf32, #tpu.memory_space<vmem>>[vector<16xi32>, vector<16xi32>], vector<16xf32>, vector<16xi1>
        %broadcast_in_dim3A_544 = arith.constant 3 : i32
        %broadcast_in_dim3A_545 = vector.broadcast %broadcast_in_dim3A_544 : i32 to vector<16xi32>
        tpu.vector_store_idx %arg9[%broadcast_in_dim3A_545, %add3A_535], %mul3A_513 masked %and3A_527 {add = true} : memref<6x1024xf32, #tpu.memory_space<vmem>>[vector<16xi32>, vector<16xi32>], vector<16xf32>, vector<16xi1>
        %broadcast_in_dim3A_546 = arith.constant 4 : i32
        %broadcast_in_dim3A_547 = vector.broadcast %broadcast_in_dim3A_546 : i32 to vector<16xi32>
        tpu.vector_store_idx %arg9[%broadcast_in_dim3A_547, %add3A_535], %mul3A_505 masked %and3A_527 {add = true} : memref<6x1024xf32, #tpu.memory_space<vmem>>[vector<16xi32>, vector<16xi32>], vector<16xf32>, vector<16xi1>
        %broadcast_in_dim3A_548 = arith.constant 5 : i32
        %broadcast_in_dim3A_549 = vector.broadcast %broadcast_in_dim3A_548 : i32 to vector<16xi32>
        tpu.vector_store_idx %arg9[%broadcast_in_dim3A_549, %add3A_535], %broadcast_in_dim3A_537 masked %and3A_527 {add = true} : memref<6x1024xf32, #tpu.memory_space<vmem>>[vector<16xi32>, vector<16xi32>], vector<16xf32>, vector<16xi1>
        %jit3A_550 = arith.constant 0.000000e+00 : f32
        %broadcast_in_dim3A_551 = vector.broadcast %jit3A_550 : f32 to vector<16xf32>
        %select_n3A_552 = arith.select %ne3A_75, %add3A_520, %broadcast_in_dim3A_551 : vector<16xi1>, vector<16xf32>
        %add3A_553 = arith.addf %scan3A_42, %select_n3A_552 : vector<16xf32>
        %max3A_554 = arith.maximumf %scan3A_43, %select_n3A_80 : vector<16xf32>
        scf.yield %add3A_553, %max3A_554 : vector<16xf32>, vector<16xf32>
      }
      %scan3A_22 = arith.constant 13 : i32
      %reduce_sum3A = arith.constant true
      %reduce_sum3A_23 = vector.broadcast %reduce_sum3A : i1 to vector<16xi1>
      %reduce_sum3A_24 = tpu.scan <sum>, %scan3A_21#0 masked %reduce_sum3A_23 : vector<16xf32>, vector<16xi1> -> vector<16xf32>
      %reduce_sum3A_25 = vector.extract %reduce_sum3A_24[15] : f32 from vector<16xf32>
      %reduce_max3A = arith.constant true
      %reduce_max3A_26 = vector.broadcast %reduce_max3A : i1 to vector<16xi1>
      %reduce_max3A_27 = tpu.scan <max>, %scan3A_21#1 masked %reduce_max3A_26 : vector<16xf32>, vector<16xi1> -> vector<16xf32>
      %reduce_max3A_28 = vector.extract %reduce_max3A_27[15] : f32 from vector<16xf32>
      %eq3A = arith.constant 0 : i32
      %eq3A_29 = vector.broadcast %eq3A : i32 to vector<16xi32>
      %eq3A_30 = arith.cmpi eq, %iota3A, %eq3A_29 : vector<16xi32>
      %eq3A_31 = arith.constant 1 : i32
      %eq3A_32 = vector.broadcast %eq3A_31 : i32 to vector<16xi32>
      %eq3A_33 = arith.cmpi eq, %iota3A, %eq3A_32 : vector<16xi32>
      %jit3A = arith.constant 0.000000e+00 : f32
      %broadcast_in_dim3A_34 = vector.broadcast %reduce_max3A_28 : f32 to vector<16xf32>
      %broadcast_in_dim3A_35 = vector.broadcast %jit3A : f32 to vector<16xf32>
      %select_n3A = arith.select %eq3A_33, %broadcast_in_dim3A_34, %broadcast_in_dim3A_35 : vector<16xi1>, vector<16xf32>
      %broadcast_in_dim3A_36 = vector.broadcast %reduce_sum3A_25 : f32 to vector<16xf32>
      %select_n3A_37 = arith.select %eq3A_30, %broadcast_in_dim3A_36, %select_n3A : vector<16xi1>, vector<16xf32>
      %swap3A = arith.constant 5 : i32
      %swap3A_38 = arith.index_cast %swap3A : i32 to index
      %swap3A_39 = arith.constant 0 : index
      %swap3A_40 = tpu.vector_load %arg8[%swap3A_38, %swap3A_39] {strides = array<i32>} : memref<6x208xf32, #tpu.memory_space<vmem>>, vector<16xf32>,
      tpu.vector_store %arg8[%swap3A_38, %swap3A_39], %select_n3A_37 {strides = array<i32>} : memref<6x208xf32, #tpu.memory_space<vmem>>, vector<16xf32>,
      "tpu.region"() ({
        %run_scoped3A = tpu.sem_alloc : memref<!tpu.dma_semaphore, #tpu.memory_space<semaphore_mem>>
        %dma_start3A = arith.constant 0 : i32
        %dma_start3A_41 = arith.constant 0 : i32
        %dma_start3A_42 = tpu.memref_slice %arg4[%add3A_10, %dma_start3A, %dma_start3A_41] : memref<64x6x1024xf32, #tpu.memory_space<hbm>> -> memref<1x6x1024xf32, #tpu.memory_space<hbm>>
        %dma_start3A_43 = tpu.memref_squeeze %dma_start3A_42 : memref<1x6x1024xf32, #tpu.memory_space<hbm>> -> memref<6x1024xf32, #tpu.memory_space<hbm>>
        %dma_start3A_44 = arith.constant 0 : i32
        %dma_start3A_45 = arith.constant 0 : i32
        %dma_start3A_46 = tpu.memref_slice %arg4[%add3A_10, %dma_start3A_44, %dma_start3A_45] : memref<64x6x1024xf32, #tpu.memory_space<hbm>> -> memref<1x6x1024xf32, #tpu.memory_space<hbm>>
        %dma_start3A_47 = tpu.memref_squeeze %dma_start3A_46 : memref<1x6x1024xf32, #tpu.memory_space<hbm>> -> memref<6x1024xf32, #tpu.memory_space<hbm>>
        tpu.enqueue_dma source(%arg9 : memref<6x1024xf32, #tpu.memory_space<vmem>>) target(%dma_start3A_47 : memref<6x1024xf32, #tpu.memory_space<hbm>>) target_semaphore(%run_scoped3A : memref<!tpu.dma_semaphore, #tpu.memory_space<semaphore_mem>>)
        %dma_wait3A = arith.constant 0 : i32
        %dma_wait3A_48 = arith.constant 0 : i32
        %dma_wait3A_49 = tpu.memref_slice %arg4[%add3A_10, %dma_wait3A, %dma_wait3A_48] : memref<64x6x1024xf32, #tpu.memory_space<hbm>> -> memref<1x6x1024xf32, #tpu.memory_space<hbm>>
        %dma_wait3A_50 = tpu.memref_squeeze %dma_wait3A_49 : memref<1x6x1024xf32, #tpu.memory_space<hbm>> -> memref<6x1024xf32, #tpu.memory_space<hbm>>
        %dma_wait3A_51 = arith.constant 0 : i32
        %dma_wait3A_52 = arith.constant 0 : i32
        %dma_wait3A_53 = tpu.memref_slice %arg4[%add3A_10, %dma_wait3A_51, %dma_wait3A_52] : memref<64x6x1024xf32, #tpu.memory_space<hbm>> -> memref<1x6x1024xf32, #tpu.memory_space<hbm>>
        %dma_wait3A_54 = tpu.memref_squeeze %dma_wait3A_53 : memref<1x6x1024xf32, #tpu.memory_space<hbm>> -> memref<6x1024xf32, #tpu.memory_space<hbm>>
        tpu.wait_dma2 semaphore(%run_scoped3A : memref<!tpu.dma_semaphore, #tpu.memory_space<semaphore_mem>>) src(%arg9 : memref<6x1024xf32, #tpu.memory_space<vmem>>) dst(%dma_wait3A_54 : memref<6x1024xf32, #tpu.memory_space<hbm>>)
        tpu.yield
      }) : () -> ()
      "tpu.region"() ({
        %run_scoped3A = tpu.sem_alloc : memref<!tpu.dma_semaphore, #tpu.memory_space<semaphore_mem>>
        %dma_start3A = arith.constant 0 : i32
        %dma_start3A_41 = arith.constant 0 : i32
        %dma_start3A_42 = tpu.memref_slice %arg5[%add3A_10, %dma_start3A, %dma_start3A_41] : memref<64x6x208xf32, #tpu.memory_space<hbm>> -> memref<1x6x208xf32, #tpu.memory_space<hbm>>
        %dma_start3A_43 = tpu.memref_squeeze %dma_start3A_42 : memref<1x6x208xf32, #tpu.memory_space<hbm>> -> memref<6x208xf32, #tpu.memory_space<hbm>>
        %dma_start3A_44 = arith.constant 0 : i32
        %dma_start3A_45 = arith.constant 0 : i32
        %dma_start3A_46 = tpu.memref_slice %arg5[%add3A_10, %dma_start3A_44, %dma_start3A_45] : memref<64x6x208xf32, #tpu.memory_space<hbm>> -> memref<1x6x208xf32, #tpu.memory_space<hbm>>
        %dma_start3A_47 = tpu.memref_squeeze %dma_start3A_46 : memref<1x6x208xf32, #tpu.memory_space<hbm>> -> memref<6x208xf32, #tpu.memory_space<hbm>>
        tpu.enqueue_dma source(%arg8 : memref<6x208xf32, #tpu.memory_space<vmem>>) target(%dma_start3A_47 : memref<6x208xf32, #tpu.memory_space<hbm>>) target_semaphore(%run_scoped3A : memref<!tpu.dma_semaphore, #tpu.memory_space<semaphore_mem>>)
        %dma_wait3A = arith.constant 0 : i32
        %dma_wait3A_48 = arith.constant 0 : i32
        %dma_wait3A_49 = tpu.memref_slice %arg5[%add3A_10, %dma_wait3A, %dma_wait3A_48] : memref<64x6x208xf32, #tpu.memory_space<hbm>> -> memref<1x6x208xf32, #tpu.memory_space<hbm>>
        %dma_wait3A_50 = tpu.memref_squeeze %dma_wait3A_49 : memref<1x6x208xf32, #tpu.memory_space<hbm>> -> memref<6x208xf32, #tpu.memory_space<hbm>>
        %dma_wait3A_51 = arith.constant 0 : i32
        %dma_wait3A_52 = arith.constant 0 : i32
        %dma_wait3A_53 = tpu.memref_slice %arg5[%add3A_10, %dma_wait3A_51, %dma_wait3A_52] : memref<64x6x208xf32, #tpu.memory_space<hbm>> -> memref<1x6x208xf32, #tpu.memory_space<hbm>>
        %dma_wait3A_54 = tpu.memref_squeeze %dma_wait3A_53 : memref<1x6x208xf32, #tpu.memory_space<hbm>> -> memref<6x208xf32, #tpu.memory_space<hbm>>
        tpu.wait_dma2 semaphore(%run_scoped3A : memref<!tpu.dma_semaphore, #tpu.memory_space<semaphore_mem>>) src(%arg8 : memref<6x208xf32, #tpu.memory_space<vmem>>) dst(%dma_wait3A_54 : memref<6x208xf32, #tpu.memory_space<hbm>>)
        tpu.yield
      }) : () -> ()
    }
    %scan3A_6 = arith.constant 2 : i32
    return
  }
}

module attributes {stable_mosaic.version = 14 : i64} {
  func.func @_tc_body(%arg0: i32, %arg1: memref<1x7x1024xf32, #tpu.memory_space<vmem>>, %arg2: memref<1x6x1024xf32, #tpu.memory_space<vmem>>, %arg3: memref<1x6x208xf32, #tpu.memory_space<smem>>, %arg4: memref<6x1024xf32, #tpu.memory_space<vmem>>, %arg5: memref<1x1xf32, #tpu.memory_space<smem>>, %arg6: memref<1x1x1xf32, #tpu.memory_space<smem>>) attributes {dimension_semantics = [#tpu.dimension_semantics<arbitrary>], iteration_bounds = array<i64: 64>, scalar_prefetch = 0 : i64, scratch_operands = 0 : i64, tpu.core_type = #tpu.core_type<tc>, window_params = [{transform_indices = @transform_0, window_bounds = array<i64: 1, 7, 1024>}, {transform_indices = @transform_1, window_bounds = array<i64: 1, 6, 1024>}, {transform_indices = @transform_2, window_bounds = array<i64: 1, 6, 208>}, {pipeline_mode = #tpu.pipeline_mode<synchronous>, transform_indices = @transform_3, window_bounds = array<i64: 6, 1024>}, {transform_indices = @transform_4, window_bounds = array<i64: 1, 1>}, {transform_indices = @transform_5, window_bounds = array<i64: 1, 1, 1>}]} {
    %get3A = arith.constant 0 : index
    %get3A_0 = arith.constant 0 : index
    %get3A_1 = memref.load %arg5[%get3A, %get3A_0] : memref<1x1xf32, #tpu.memory_space<smem>>
    %get3A_2 = arith.constant 0 : index
    %get3A_3 = arith.constant 0 : index
    %get3A_4 = vector.load %arg4[%get3A_2, %get3A_3] : memref<6x1024xf32, #tpu.memory_space<vmem>>, vector<1x1024xf32>
    %get3A_5 = vector.shape_cast %get3A_4 : vector<1x1024xf32> to vector<1024xf32>
    %reshape3A = vector.shape_cast %get3A_5 : vector<1024xf32> to vector<8x128xf32>
    %get3A_6 = arith.constant 1 : index
    %get3A_7 = arith.constant 0 : index
    %get3A_8 = vector.load %arg4[%get3A_6, %get3A_7] : memref<6x1024xf32, #tpu.memory_space<vmem>>, vector<1x1024xf32>
    %get3A_9 = vector.shape_cast %get3A_8 : vector<1x1024xf32> to vector<1024xf32>
    %reshape3A_10 = vector.shape_cast %get3A_9 : vector<1024xf32> to vector<8x128xf32>
    %get3A_11 = arith.constant 2 : index
    %get3A_12 = arith.constant 0 : index
    %get3A_13 = vector.load %arg4[%get3A_11, %get3A_12] : memref<6x1024xf32, #tpu.memory_space<vmem>>, vector<1x1024xf32>
    %get3A_14 = vector.shape_cast %get3A_13 : vector<1x1024xf32> to vector<1024xf32>
    %reshape3A_15 = vector.shape_cast %get3A_14 : vector<1024xf32> to vector<8x128xf32>
    %get3A_16 = arith.constant 3 : index
    %get3A_17 = arith.constant 0 : index
    %get3A_18 = vector.load %arg4[%get3A_16, %get3A_17] : memref<6x1024xf32, #tpu.memory_space<vmem>>, vector<1x1024xf32>
    %get3A_19 = vector.shape_cast %get3A_18 : vector<1x1024xf32> to vector<1024xf32>
    %reshape3A_20 = vector.shape_cast %get3A_19 : vector<1024xf32> to vector<8x128xf32>
    %get3A_21 = arith.constant 0 : index
    %get3A_22 = arith.constant 0 : index
    %get3A_23 = arith.constant 0 : index
    %get3A_24 = vector.load %arg1[%get3A_21, %get3A_22, %get3A_23] : memref<1x7x1024xf32, #tpu.memory_space<vmem>>, vector<1x1x1024xf32>
    %get3A_25 = vector.shape_cast %get3A_24 : vector<1x1x1024xf32> to vector<1024xf32>
    %reshape3A_26 = vector.shape_cast %get3A_25 : vector<1024xf32> to vector<8x128xf32>
    %get3A_27 = arith.constant 0 : index
    %get3A_28 = arith.constant 3 : index
    %get3A_29 = arith.constant 0 : index
    %get3A_30 = vector.load %arg1[%get3A_27, %get3A_28, %get3A_29] : memref<1x7x1024xf32, #tpu.memory_space<vmem>>, vector<1x1x1024xf32>
    %get3A_31 = vector.shape_cast %get3A_30 : vector<1x1x1024xf32> to vector<1024xf32>
    %reshape3A_32 = vector.shape_cast %get3A_31 : vector<1024xf32> to vector<8x128xf32>
    %get3A_33 = arith.constant 0 : index
    %get3A_34 = arith.constant 4 : index
    %get3A_35 = arith.constant 0 : index
    %get3A_36 = vector.load %arg1[%get3A_33, %get3A_34, %get3A_35] : memref<1x7x1024xf32, #tpu.memory_space<vmem>>, vector<1x1x1024xf32>
    %get3A_37 = vector.shape_cast %get3A_36 : vector<1x1x1024xf32> to vector<1024xf32>
    %reshape3A_38 = vector.shape_cast %get3A_37 : vector<1024xf32> to vector<8x128xf32>
    %get3A_39 = arith.constant 0 : index
    %get3A_40 = arith.constant 5 : index
    %get3A_41 = arith.constant 0 : index
    %get3A_42 = vector.load %arg1[%get3A_39, %get3A_40, %get3A_41] : memref<1x7x1024xf32, #tpu.memory_space<vmem>>, vector<1x1x1024xf32>
    %get3A_43 = vector.shape_cast %get3A_42 : vector<1x1x1024xf32> to vector<1024xf32>
    %reshape3A_44 = vector.shape_cast %get3A_43 : vector<1024xf32> to vector<8x128xf32>
    %get3A_45 = arith.constant 0 : index
    %get3A_46 = arith.constant 6 : index
    %get3A_47 = arith.constant 0 : index
    %get3A_48 = vector.load %arg1[%get3A_45, %get3A_46, %get3A_47] : memref<1x7x1024xf32, #tpu.memory_space<vmem>>, vector<1x1x1024xf32>
    %get3A_49 = vector.shape_cast %get3A_48 : vector<1x1x1024xf32> to vector<1024xf32>
    %reshape3A_50 = vector.shape_cast %get3A_49 : vector<1024xf32> to vector<8x128xf32>
    %neg3A = arith.constant 0.000000e+00 : f32
    %neg3A_51 = vector.broadcast %neg3A : f32 to vector<8x128xf32>
    %neg3A_52 = arith.subf %neg3A_51, %reshape3A_32 : vector<8x128xf32>
    %exp3A = math.exp %neg3A_52 : vector<8x128xf32>
    %add3A = arith.constant 1.000000e+00 : f32
    %add3A_53 = vector.broadcast %add3A : f32 to vector<8x128xf32>
    %add3A_54 = arith.addf %add3A_53, %exp3A : vector<8x128xf32>
    %div3A = arith.constant 1.000000e+00 : f32
    %div3A_55 = vector.broadcast %div3A : f32 to vector<8x128xf32>
    %div3A_56 = arith.divf %div3A_55, %add3A_54 : vector<8x128xf32>
    %neg3A_57 = arith.constant 0.000000e+00 : f32
    %neg3A_58 = vector.broadcast %neg3A_57 : f32 to vector<8x128xf32>
    %neg3A_59 = arith.subf %neg3A_58, %reshape3A_38 : vector<8x128xf32>
    %exp3A_60 = math.exp %neg3A_59 : vector<8x128xf32>
    %add3A_61 = arith.constant 1.000000e+00 : f32
    %add3A_62 = vector.broadcast %add3A_61 : f32 to vector<8x128xf32>
    %add3A_63 = arith.addf %add3A_62, %exp3A_60 : vector<8x128xf32>
    %div3A_64 = arith.constant 1.000000e+00 : f32
    %div3A_65 = vector.broadcast %div3A_64 : f32 to vector<8x128xf32>
    %div3A_66 = arith.divf %div3A_65, %add3A_63 : vector<8x128xf32>
    %add3A_67 = arith.addf %div3A_56, %reshape3A_15 : vector<8x128xf32>
    %div3A_68 = arith.constant 1.400000e+01 : f32
    %div3A_69 = vector.broadcast %div3A_68 : f32 to vector<8x128xf32>
    %div3A_70 = arith.divf %add3A_67, %div3A_69 : vector<8x128xf32>
    %add3A_71 = arith.addf %div3A_66, %reshape3A_20 : vector<8x128xf32>
    %div3A_72 = arith.constant 1.400000e+01 : f32
    %div3A_73 = vector.broadcast %div3A_72 : f32 to vector<8x128xf32>
    %div3A_74 = arith.divf %add3A_71, %div3A_73 : vector<8x128xf32>
    %exp3A_75 = math.exp %reshape3A_44 : vector<8x128xf32>
    %mul3A = arith.mulf %exp3A_75, %reshape3A : vector<8x128xf32>
    %exp3A_76 = math.exp %reshape3A_50 : vector<8x128xf32>
    %mul3A_77 = arith.mulf %exp3A_76, %reshape3A_10 : vector<8x128xf32>
    %mul3A_78 = arith.constant 5.000000e-01 : f32
    %mul3A_79 = vector.broadcast %mul3A_78 : f32 to vector<8x128xf32>
    %mul3A_80 = arith.mulf %mul3A_79, %mul3A : vector<8x128xf32>
    %sub3A = arith.subf %div3A_70, %mul3A_80 : vector<8x128xf32>
    %mul3A_81 = arith.constant 5.000000e-01 : f32
    %mul3A_82 = vector.broadcast %mul3A_81 : f32 to vector<8x128xf32>
    %mul3A_83 = arith.mulf %mul3A_82, %mul3A : vector<8x128xf32>
    %add3A_84 = arith.addf %div3A_70, %mul3A_83 : vector<8x128xf32>
    %mul3A_85 = arith.constant 5.000000e-01 : f32
    %mul3A_86 = vector.broadcast %mul3A_85 : f32 to vector<8x128xf32>
    %mul3A_87 = arith.mulf %mul3A_86, %mul3A_77 : vector<8x128xf32>
    %sub3A_88 = arith.subf %div3A_74, %mul3A_87 : vector<8x128xf32>
    %mul3A_89 = arith.constant 5.000000e-01 : f32
    %mul3A_90 = vector.broadcast %mul3A_89 : f32 to vector<8x128xf32>
    %mul3A_91 = arith.mulf %mul3A_90, %mul3A_77 : vector<8x128xf32>
    %add3A_92 = arith.addf %div3A_74, %mul3A_91 : vector<8x128xf32>
    %mul3A_93 = arith.mulf %mul3A, %mul3A_77 : vector<8x128xf32>
    %mul3A_94 = arith.constant -6.000000e-01 : f32
    %mul3A_95 = vector.broadcast %mul3A_94 : f32 to vector<8x128xf32>
    %mul3A_96 = arith.mulf %mul3A_95, %mul3A_93 : vector<8x128xf32>
    %broadcast_in_dim3A = arith.constant -3.000000e+38 : f32
    %broadcast_in_dim3A_97 = vector.broadcast %broadcast_in_dim3A : f32 to vector<8x128xf32>
    %scan3A = arith.constant 0 : i32
    %scan3A_98 = arith.constant 196 : i32
    %scan3A_99 = arith.addi %scan3A, %scan3A_98 : i32
    %scan3A_100 = arith.constant 14 : i32
    %scan3A_101 = scf.for %scan3A_209 = %scan3A to %scan3A_99 step %scan3A_100 iter_args(%scan3A_210 = %broadcast_in_dim3A_97) -> (vector<8x128xf32>)  : i32 {
      %get3A_211 = arith.constant 0 : index
      %get3A_212 = arith.constant 0 : index
      %get3A_213 = arith.index_cast %scan3A_209 : i32 to index
      %get3A_214 = memref.load %arg3[%get3A_211, %get3A_212, %get3A_213] : memref<1x6x208xf32, #tpu.memory_space<smem>>
      %get3A_215 = arith.constant 0 : index
      %get3A_216 = arith.constant 1 : index
      %get3A_217 = arith.index_cast %scan3A_209 : i32 to index
      %get3A_218 = memref.load %arg3[%get3A_215, %get3A_216, %get3A_217] : memref<1x6x208xf32, #tpu.memory_space<smem>>
      %get3A_219 = arith.constant 0 : index
      %get3A_220 = arith.constant 2 : index
      %get3A_221 = arith.index_cast %scan3A_209 : i32 to index
      %get3A_222 = memref.load %arg3[%get3A_219, %get3A_220, %get3A_221] : memref<1x6x208xf32, #tpu.memory_space<smem>>
      %get3A_223 = arith.constant 0 : index
      %get3A_224 = arith.constant 3 : index
      %get3A_225 = arith.index_cast %scan3A_209 : i32 to index
      %get3A_226 = memref.load %arg3[%get3A_223, %get3A_224, %get3A_225] : memref<1x6x208xf32, #tpu.memory_space<smem>>
      %get3A_227 = arith.constant 0 : index
      %get3A_228 = arith.constant 4 : index
      %get3A_229 = arith.index_cast %scan3A_209 : i32 to index
      %get3A_230 = memref.load %arg3[%get3A_227, %get3A_228, %get3A_229] : memref<1x6x208xf32, #tpu.memory_space<smem>>
      %max3A = vector.broadcast %get3A_214 : f32 to vector<8x128xf32>
      %max3A_231 = arith.maximumf %sub3A, %max3A : vector<8x128xf32>
      %min3A = vector.broadcast %get3A_218 : f32 to vector<8x128xf32>
      %min3A_232 = arith.minimumf %add3A_84, %min3A : vector<8x128xf32>
      %max3A_233 = vector.broadcast %get3A_222 : f32 to vector<8x128xf32>
      %max3A_234 = arith.maximumf %sub3A_88, %max3A_233 : vector<8x128xf32>
      %min3A_235 = vector.broadcast %get3A_226 : f32 to vector<8x128xf32>
      %min3A_236 = arith.minimumf %add3A_92, %min3A_235 : vector<8x128xf32>
      %sub3A_237 = arith.subf %min3A_232, %max3A_231 : vector<8x128xf32>
      %max3A_238 = arith.constant 0.000000e+00 : f32
      %max3A_239 = vector.broadcast %max3A_238 : f32 to vector<8x128xf32>
      %max3A_240 = arith.maximumf %sub3A_237, %max3A_239 : vector<8x128xf32>
      %sub3A_241 = arith.subf %min3A_236, %max3A_234 : vector<8x128xf32>
      %max3A_242 = arith.constant 0.000000e+00 : f32
      %max3A_243 = vector.broadcast %max3A_242 : f32 to vector<8x128xf32>
      %max3A_244 = arith.maximumf %sub3A_241, %max3A_243 : vector<8x128xf32>
      %mul3A_245 = arith.mulf %max3A_240, %max3A_244 : vector<8x128xf32>
      %mul3A_246 = arith.constant 1.600000e+00 : f32
      %mul3A_247 = vector.broadcast %mul3A_246 : f32 to vector<8x128xf32>
      %mul3A_248 = arith.mulf %mul3A_247, %mul3A_245 : vector<8x128xf32>
      %add3A_249 = vector.broadcast %get3A_230 : f32 to vector<8x128xf32>
      %add3A_250 = arith.addf %mul3A_248, %add3A_249 : vector<8x128xf32>
      %max3A_251 = arith.maximumf %scan3A_210, %add3A_250 : vector<8x128xf32>
      %scan3A_252 = arith.constant 1 : i32
      %scan3A_253 = arith.addi %scan3A_209, %scan3A_252 : i32
      %get3A_254 = arith.constant 0 : index
      %get3A_255 = arith.constant 0 : index
      %get3A_256 = arith.index_cast %scan3A_253 : i32 to index
      %get3A_257 = memref.load %arg3[%get3A_254, %get3A_255, %get3A_256] : memref<1x6x208xf32, #tpu.memory_space<smem>>
      %get3A_258 = arith.constant 0 : index
      %get3A_259 = arith.constant 1 : index
      %get3A_260 = arith.index_cast %scan3A_253 : i32 to index
      %get3A_261 = memref.load %arg3[%get3A_258, %get3A_259, %get3A_260] : memref<1x6x208xf32, #tpu.memory_space<smem>>
      %get3A_262 = arith.constant 0 : index
      %get3A_263 = arith.constant 2 : index
      %get3A_264 = arith.index_cast %scan3A_253 : i32 to index
      %get3A_265 = memref.load %arg3[%get3A_262, %get3A_263, %get3A_264] : memref<1x6x208xf32, #tpu.memory_space<smem>>
      %get3A_266 = arith.constant 0 : index
      %get3A_267 = arith.constant 3 : index
      %get3A_268 = arith.index_cast %scan3A_253 : i32 to index
      %get3A_269 = memref.load %arg3[%get3A_266, %get3A_267, %get3A_268] : memref<1x6x208xf32, #tpu.memory_space<smem>>
      %get3A_270 = arith.constant 0 : index
      %get3A_271 = arith.constant 4 : index
      %get3A_272 = arith.index_cast %scan3A_253 : i32 to index
      %get3A_273 = memref.load %arg3[%get3A_270, %get3A_271, %get3A_272] : memref<1x6x208xf32, #tpu.memory_space<smem>>
      %max3A_274 = vector.broadcast %get3A_257 : f32 to vector<8x128xf32>
      %max3A_275 = arith.maximumf %sub3A, %max3A_274 : vector<8x128xf32>
      %min3A_276 = vector.broadcast %get3A_261 : f32 to vector<8x128xf32>
      %min3A_277 = arith.minimumf %add3A_84, %min3A_276 : vector<8x128xf32>
      %max3A_278 = vector.broadcast %get3A_265 : f32 to vector<8x128xf32>
      %max3A_279 = arith.maximumf %sub3A_88, %max3A_278 : vector<8x128xf32>
      %min3A_280 = vector.broadcast %get3A_269 : f32 to vector<8x128xf32>
      %min3A_281 = arith.minimumf %add3A_92, %min3A_280 : vector<8x128xf32>
      %sub3A_282 = arith.subf %min3A_277, %max3A_275 : vector<8x128xf32>
      %max3A_283 = arith.constant 0.000000e+00 : f32
      %max3A_284 = vector.broadcast %max3A_283 : f32 to vector<8x128xf32>
      %max3A_285 = arith.maximumf %sub3A_282, %max3A_284 : vector<8x128xf32>
      %sub3A_286 = arith.subf %min3A_281, %max3A_279 : vector<8x128xf32>
      %max3A_287 = arith.constant 0.000000e+00 : f32
      %max3A_288 = vector.broadcast %max3A_287 : f32 to vector<8x128xf32>
      %max3A_289 = arith.maximumf %sub3A_286, %max3A_288 : vector<8x128xf32>
      %mul3A_290 = arith.mulf %max3A_285, %max3A_289 : vector<8x128xf32>
      %mul3A_291 = arith.constant 1.600000e+00 : f32
      %mul3A_292 = vector.broadcast %mul3A_291 : f32 to vector<8x128xf32>
      %mul3A_293 = arith.mulf %mul3A_292, %mul3A_290 : vector<8x128xf32>
      %add3A_294 = vector.broadcast %get3A_273 : f32 to vector<8x128xf32>
      %add3A_295 = arith.addf %mul3A_293, %add3A_294 : vector<8x128xf32>
      %max3A_296 = arith.maximumf %max3A_251, %add3A_295 : vector<8x128xf32>
      %scan3A_297 = arith.constant 2 : i32
      %scan3A_298 = arith.addi %scan3A_209, %scan3A_297 : i32
      %get3A_299 = arith.constant 0 : index
      %get3A_300 = arith.constant 0 : index
      %get3A_301 = arith.index_cast %scan3A_298 : i32 to index
      %get3A_302 = memref.load %arg3[%get3A_299, %get3A_300, %get3A_301] : memref<1x6x208xf32, #tpu.memory_space<smem>>
      %get3A_303 = arith.constant 0 : index
      %get3A_304 = arith.constant 1 : index
      %get3A_305 = arith.index_cast %scan3A_298 : i32 to index
      %get3A_306 = memref.load %arg3[%get3A_303, %get3A_304, %get3A_305] : memref<1x6x208xf32, #tpu.memory_space<smem>>
      %get3A_307 = arith.constant 0 : index
      %get3A_308 = arith.constant 2 : index
      %get3A_309 = arith.index_cast %scan3A_298 : i32 to index
      %get3A_310 = memref.load %arg3[%get3A_307, %get3A_308, %get3A_309] : memref<1x6x208xf32, #tpu.memory_space<smem>>
      %get3A_311 = arith.constant 0 : index
      %get3A_312 = arith.constant 3 : index
      %get3A_313 = arith.index_cast %scan3A_298 : i32 to index
      %get3A_314 = memref.load %arg3[%get3A_311, %get3A_312, %get3A_313] : memref<1x6x208xf32, #tpu.memory_space<smem>>
      %get3A_315 = arith.constant 0 : index
      %get3A_316 = arith.constant 4 : index
      %get3A_317 = arith.index_cast %scan3A_298 : i32 to index
      %get3A_318 = memref.load %arg3[%get3A_315, %get3A_316, %get3A_317] : memref<1x6x208xf32, #tpu.memory_space<smem>>
      %max3A_319 = vector.broadcast %get3A_302 : f32 to vector<8x128xf32>
      %max3A_320 = arith.maximumf %sub3A, %max3A_319 : vector<8x128xf32>
      %min3A_321 = vector.broadcast %get3A_306 : f32 to vector<8x128xf32>
      %min3A_322 = arith.minimumf %add3A_84, %min3A_321 : vector<8x128xf32>
      %max3A_323 = vector.broadcast %get3A_310 : f32 to vector<8x128xf32>
      %max3A_324 = arith.maximumf %sub3A_88, %max3A_323 : vector<8x128xf32>
      %min3A_325 = vector.broadcast %get3A_314 : f32 to vector<8x128xf32>
      %min3A_326 = arith.minimumf %add3A_92, %min3A_325 : vector<8x128xf32>
      %sub3A_327 = arith.subf %min3A_322, %max3A_320 : vector<8x128xf32>
      %max3A_328 = arith.constant 0.000000e+00 : f32
      %max3A_329 = vector.broadcast %max3A_328 : f32 to vector<8x128xf32>
      %max3A_330 = arith.maximumf %sub3A_327, %max3A_329 : vector<8x128xf32>
      %sub3A_331 = arith.subf %min3A_326, %max3A_324 : vector<8x128xf32>
      %max3A_332 = arith.constant 0.000000e+00 : f32
      %max3A_333 = vector.broadcast %max3A_332 : f32 to vector<8x128xf32>
      %max3A_334 = arith.maximumf %sub3A_331, %max3A_333 : vector<8x128xf32>
      %mul3A_335 = arith.mulf %max3A_330, %max3A_334 : vector<8x128xf32>
      %mul3A_336 = arith.constant 1.600000e+00 : f32
      %mul3A_337 = vector.broadcast %mul3A_336 : f32 to vector<8x128xf32>
      %mul3A_338 = arith.mulf %mul3A_337, %mul3A_335 : vector<8x128xf32>
      %add3A_339 = vector.broadcast %get3A_318 : f32 to vector<8x128xf32>
      %add3A_340 = arith.addf %mul3A_338, %add3A_339 : vector<8x128xf32>
      %max3A_341 = arith.maximumf %max3A_296, %add3A_340 : vector<8x128xf32>
      %scan3A_342 = arith.constant 3 : i32
      %scan3A_343 = arith.addi %scan3A_209, %scan3A_342 : i32
      %get3A_344 = arith.constant 0 : index
      %get3A_345 = arith.constant 0 : index
      %get3A_346 = arith.index_cast %scan3A_343 : i32 to index
      %get3A_347 = memref.load %arg3[%get3A_344, %get3A_345, %get3A_346] : memref<1x6x208xf32, #tpu.memory_space<smem>>
      %get3A_348 = arith.constant 0 : index
      %get3A_349 = arith.constant 1 : index
      %get3A_350 = arith.index_cast %scan3A_343 : i32 to index
      %get3A_351 = memref.load %arg3[%get3A_348, %get3A_349, %get3A_350] : memref<1x6x208xf32, #tpu.memory_space<smem>>
      %get3A_352 = arith.constant 0 : index
      %get3A_353 = arith.constant 2 : index
      %get3A_354 = arith.index_cast %scan3A_343 : i32 to index
      %get3A_355 = memref.load %arg3[%get3A_352, %get3A_353, %get3A_354] : memref<1x6x208xf32, #tpu.memory_space<smem>>
      %get3A_356 = arith.constant 0 : index
      %get3A_357 = arith.constant 3 : index
      %get3A_358 = arith.index_cast %scan3A_343 : i32 to index
      %get3A_359 = memref.load %arg3[%get3A_356, %get3A_357, %get3A_358] : memref<1x6x208xf32, #tpu.memory_space<smem>>
      %get3A_360 = arith.constant 0 : index
      %get3A_361 = arith.constant 4 : index
      %get3A_362 = arith.index_cast %scan3A_343 : i32 to index
      %get3A_363 = memref.load %arg3[%get3A_360, %get3A_361, %get3A_362] : memref<1x6x208xf32, #tpu.memory_space<smem>>
      %max3A_364 = vector.broadcast %get3A_347 : f32 to vector<8x128xf32>
      %max3A_365 = arith.maximumf %sub3A, %max3A_364 : vector<8x128xf32>
      %min3A_366 = vector.broadcast %get3A_351 : f32 to vector<8x128xf32>
      %min3A_367 = arith.minimumf %add3A_84, %min3A_366 : vector<8x128xf32>
      %max3A_368 = vector.broadcast %get3A_355 : f32 to vector<8x128xf32>
      %max3A_369 = arith.maximumf %sub3A_88, %max3A_368 : vector<8x128xf32>
      %min3A_370 = vector.broadcast %get3A_359 : f32 to vector<8x128xf32>
      %min3A_371 = arith.minimumf %add3A_92, %min3A_370 : vector<8x128xf32>
      %sub3A_372 = arith.subf %min3A_367, %max3A_365 : vector<8x128xf32>
      %max3A_373 = arith.constant 0.000000e+00 : f32
      %max3A_374 = vector.broadcast %max3A_373 : f32 to vector<8x128xf32>
      %max3A_375 = arith.maximumf %sub3A_372, %max3A_374 : vector<8x128xf32>
      %sub3A_376 = arith.subf %min3A_371, %max3A_369 : vector<8x128xf32>
      %max3A_377 = arith.constant 0.000000e+00 : f32
      %max3A_378 = vector.broadcast %max3A_377 : f32 to vector<8x128xf32>
      %max3A_379 = arith.maximumf %sub3A_376, %max3A_378 : vector<8x128xf32>
      %mul3A_380 = arith.mulf %max3A_375, %max3A_379 : vector<8x128xf32>
      %mul3A_381 = arith.constant 1.600000e+00 : f32
      %mul3A_382 = vector.broadcast %mul3A_381 : f32 to vector<8x128xf32>
      %mul3A_383 = arith.mulf %mul3A_382, %mul3A_380 : vector<8x128xf32>
      %add3A_384 = vector.broadcast %get3A_363 : f32 to vector<8x128xf32>
      %add3A_385 = arith.addf %mul3A_383, %add3A_384 : vector<8x128xf32>
      %max3A_386 = arith.maximumf %max3A_341, %add3A_385 : vector<8x128xf32>
      %scan3A_387 = arith.constant 4 : i32
      %scan3A_388 = arith.addi %scan3A_209, %scan3A_387 : i32
      %get3A_389 = arith.constant 0 : index
      %get3A_390 = arith.constant 0 : index
      %get3A_391 = arith.index_cast %scan3A_388 : i32 to index
      %get3A_392 = memref.load %arg3[%get3A_389, %get3A_390, %get3A_391] : memref<1x6x208xf32, #tpu.memory_space<smem>>
      %get3A_393 = arith.constant 0 : index
      %get3A_394 = arith.constant 1 : index
      %get3A_395 = arith.index_cast %scan3A_388 : i32 to index
      %get3A_396 = memref.load %arg3[%get3A_393, %get3A_394, %get3A_395] : memref<1x6x208xf32, #tpu.memory_space<smem>>
      %get3A_397 = arith.constant 0 : index
      %get3A_398 = arith.constant 2 : index
      %get3A_399 = arith.index_cast %scan3A_388 : i32 to index
      %get3A_400 = memref.load %arg3[%get3A_397, %get3A_398, %get3A_399] : memref<1x6x208xf32, #tpu.memory_space<smem>>
      %get3A_401 = arith.constant 0 : index
      %get3A_402 = arith.constant 3 : index
      %get3A_403 = arith.index_cast %scan3A_388 : i32 to index
      %get3A_404 = memref.load %arg3[%get3A_401, %get3A_402, %get3A_403] : memref<1x6x208xf32, #tpu.memory_space<smem>>
      %get3A_405 = arith.constant 0 : index
      %get3A_406 = arith.constant 4 : index
      %get3A_407 = arith.index_cast %scan3A_388 : i32 to index
      %get3A_408 = memref.load %arg3[%get3A_405, %get3A_406, %get3A_407] : memref<1x6x208xf32, #tpu.memory_space<smem>>
      %max3A_409 = vector.broadcast %get3A_392 : f32 to vector<8x128xf32>
      %max3A_410 = arith.maximumf %sub3A, %max3A_409 : vector<8x128xf32>
      %min3A_411 = vector.broadcast %get3A_396 : f32 to vector<8x128xf32>
      %min3A_412 = arith.minimumf %add3A_84, %min3A_411 : vector<8x128xf32>
      %max3A_413 = vector.broadcast %get3A_400 : f32 to vector<8x128xf32>
      %max3A_414 = arith.maximumf %sub3A_88, %max3A_413 : vector<8x128xf32>
      %min3A_415 = vector.broadcast %get3A_404 : f32 to vector<8x128xf32>
      %min3A_416 = arith.minimumf %add3A_92, %min3A_415 : vector<8x128xf32>
      %sub3A_417 = arith.subf %min3A_412, %max3A_410 : vector<8x128xf32>
      %max3A_418 = arith.constant 0.000000e+00 : f32
      %max3A_419 = vector.broadcast %max3A_418 : f32 to vector<8x128xf32>
      %max3A_420 = arith.maximumf %sub3A_417, %max3A_419 : vector<8x128xf32>
      %sub3A_421 = arith.subf %min3A_416, %max3A_414 : vector<8x128xf32>
      %max3A_422 = arith.constant 0.000000e+00 : f32
      %max3A_423 = vector.broadcast %max3A_422 : f32 to vector<8x128xf32>
      %max3A_424 = arith.maximumf %sub3A_421, %max3A_423 : vector<8x128xf32>
      %mul3A_425 = arith.mulf %max3A_420, %max3A_424 : vector<8x128xf32>
      %mul3A_426 = arith.constant 1.600000e+00 : f32
      %mul3A_427 = vector.broadcast %mul3A_426 : f32 to vector<8x128xf32>
      %mul3A_428 = arith.mulf %mul3A_427, %mul3A_425 : vector<8x128xf32>
      %add3A_429 = vector.broadcast %get3A_408 : f32 to vector<8x128xf32>
      %add3A_430 = arith.addf %mul3A_428, %add3A_429 : vector<8x128xf32>
      %max3A_431 = arith.maximumf %max3A_386, %add3A_430 : vector<8x128xf32>
      %scan3A_432 = arith.constant 5 : i32
      %scan3A_433 = arith.addi %scan3A_209, %scan3A_432 : i32
      %get3A_434 = arith.constant 0 : index
      %get3A_435 = arith.constant 0 : index
      %get3A_436 = arith.index_cast %scan3A_433 : i32 to index
      %get3A_437 = memref.load %arg3[%get3A_434, %get3A_435, %get3A_436] : memref<1x6x208xf32, #tpu.memory_space<smem>>
      %get3A_438 = arith.constant 0 : index
      %get3A_439 = arith.constant 1 : index
      %get3A_440 = arith.index_cast %scan3A_433 : i32 to index
      %get3A_441 = memref.load %arg3[%get3A_438, %get3A_439, %get3A_440] : memref<1x6x208xf32, #tpu.memory_space<smem>>
      %get3A_442 = arith.constant 0 : index
      %get3A_443 = arith.constant 2 : index
      %get3A_444 = arith.index_cast %scan3A_433 : i32 to index
      %get3A_445 = memref.load %arg3[%get3A_442, %get3A_443, %get3A_444] : memref<1x6x208xf32, #tpu.memory_space<smem>>
      %get3A_446 = arith.constant 0 : index
      %get3A_447 = arith.constant 3 : index
      %get3A_448 = arith.index_cast %scan3A_433 : i32 to index
      %get3A_449 = memref.load %arg3[%get3A_446, %get3A_447, %get3A_448] : memref<1x6x208xf32, #tpu.memory_space<smem>>
      %get3A_450 = arith.constant 0 : index
      %get3A_451 = arith.constant 4 : index
      %get3A_452 = arith.index_cast %scan3A_433 : i32 to index
      %get3A_453 = memref.load %arg3[%get3A_450, %get3A_451, %get3A_452] : memref<1x6x208xf32, #tpu.memory_space<smem>>
      %max3A_454 = vector.broadcast %get3A_437 : f32 to vector<8x128xf32>
      %max3A_455 = arith.maximumf %sub3A, %max3A_454 : vector<8x128xf32>
      %min3A_456 = vector.broadcast %get3A_441 : f32 to vector<8x128xf32>
      %min3A_457 = arith.minimumf %add3A_84, %min3A_456 : vector<8x128xf32>
      %max3A_458 = vector.broadcast %get3A_445 : f32 to vector<8x128xf32>
      %max3A_459 = arith.maximumf %sub3A_88, %max3A_458 : vector<8x128xf32>
      %min3A_460 = vector.broadcast %get3A_449 : f32 to vector<8x128xf32>
      %min3A_461 = arith.minimumf %add3A_92, %min3A_460 : vector<8x128xf32>
      %sub3A_462 = arith.subf %min3A_457, %max3A_455 : vector<8x128xf32>
      %max3A_463 = arith.constant 0.000000e+00 : f32
      %max3A_464 = vector.broadcast %max3A_463 : f32 to vector<8x128xf32>
      %max3A_465 = arith.maximumf %sub3A_462, %max3A_464 : vector<8x128xf32>
      %sub3A_466 = arith.subf %min3A_461, %max3A_459 : vector<8x128xf32>
      %max3A_467 = arith.constant 0.000000e+00 : f32
      %max3A_468 = vector.broadcast %max3A_467 : f32 to vector<8x128xf32>
      %max3A_469 = arith.maximumf %sub3A_466, %max3A_468 : vector<8x128xf32>
      %mul3A_470 = arith.mulf %max3A_465, %max3A_469 : vector<8x128xf32>
      %mul3A_471 = arith.constant 1.600000e+00 : f32
      %mul3A_472 = vector.broadcast %mul3A_471 : f32 to vector<8x128xf32>
      %mul3A_473 = arith.mulf %mul3A_472, %mul3A_470 : vector<8x128xf32>
      %add3A_474 = vector.broadcast %get3A_453 : f32 to vector<8x128xf32>
      %add3A_475 = arith.addf %mul3A_473, %add3A_474 : vector<8x128xf32>
      %max3A_476 = arith.maximumf %max3A_431, %add3A_475 : vector<8x128xf32>
      %scan3A_477 = arith.constant 6 : i32
      %scan3A_478 = arith.addi %scan3A_209, %scan3A_477 : i32
      %get3A_479 = arith.constant 0 : index
      %get3A_480 = arith.constant 0 : index
      %get3A_481 = arith.index_cast %scan3A_478 : i32 to index
      %get3A_482 = memref.load %arg3[%get3A_479, %get3A_480, %get3A_481] : memref<1x6x208xf32, #tpu.memory_space<smem>>
      %get3A_483 = arith.constant 0 : index
      %get3A_484 = arith.constant 1 : index
      %get3A_485 = arith.index_cast %scan3A_478 : i32 to index
      %get3A_486 = memref.load %arg3[%get3A_483, %get3A_484, %get3A_485] : memref<1x6x208xf32, #tpu.memory_space<smem>>
      %get3A_487 = arith.constant 0 : index
      %get3A_488 = arith.constant 2 : index
      %get3A_489 = arith.index_cast %scan3A_478 : i32 to index
      %get3A_490 = memref.load %arg3[%get3A_487, %get3A_488, %get3A_489] : memref<1x6x208xf32, #tpu.memory_space<smem>>
      %get3A_491 = arith.constant 0 : index
      %get3A_492 = arith.constant 3 : index
      %get3A_493 = arith.index_cast %scan3A_478 : i32 to index
      %get3A_494 = memref.load %arg3[%get3A_491, %get3A_492, %get3A_493] : memref<1x6x208xf32, #tpu.memory_space<smem>>
      %get3A_495 = arith.constant 0 : index
      %get3A_496 = arith.constant 4 : index
      %get3A_497 = arith.index_cast %scan3A_478 : i32 to index
      %get3A_498 = memref.load %arg3[%get3A_495, %get3A_496, %get3A_497] : memref<1x6x208xf32, #tpu.memory_space<smem>>
      %max3A_499 = vector.broadcast %get3A_482 : f32 to vector<8x128xf32>
      %max3A_500 = arith.maximumf %sub3A, %max3A_499 : vector<8x128xf32>
      %min3A_501 = vector.broadcast %get3A_486 : f32 to vector<8x128xf32>
      %min3A_502 = arith.minimumf %add3A_84, %min3A_501 : vector<8x128xf32>
      %max3A_503 = vector.broadcast %get3A_490 : f32 to vector<8x128xf32>
      %max3A_504 = arith.maximumf %sub3A_88, %max3A_503 : vector<8x128xf32>
      %min3A_505 = vector.broadcast %get3A_494 : f32 to vector<8x128xf32>
      %min3A_506 = arith.minimumf %add3A_92, %min3A_505 : vector<8x128xf32>
      %sub3A_507 = arith.subf %min3A_502, %max3A_500 : vector<8x128xf32>
      %max3A_508 = arith.constant 0.000000e+00 : f32
      %max3A_509 = vector.broadcast %max3A_508 : f32 to vector<8x128xf32>
      %max3A_510 = arith.maximumf %sub3A_507, %max3A_509 : vector<8x128xf32>
      %sub3A_511 = arith.subf %min3A_506, %max3A_504 : vector<8x128xf32>
      %max3A_512 = arith.constant 0.000000e+00 : f32
      %max3A_513 = vector.broadcast %max3A_512 : f32 to vector<8x128xf32>
      %max3A_514 = arith.maximumf %sub3A_511, %max3A_513 : vector<8x128xf32>
      %mul3A_515 = arith.mulf %max3A_510, %max3A_514 : vector<8x128xf32>
      %mul3A_516 = arith.constant 1.600000e+00 : f32
      %mul3A_517 = vector.broadcast %mul3A_516 : f32 to vector<8x128xf32>
      %mul3A_518 = arith.mulf %mul3A_517, %mul3A_515 : vector<8x128xf32>
      %add3A_519 = vector.broadcast %get3A_498 : f32 to vector<8x128xf32>
      %add3A_520 = arith.addf %mul3A_518, %add3A_519 : vector<8x128xf32>
      %max3A_521 = arith.maximumf %max3A_476, %add3A_520 : vector<8x128xf32>
      %scan3A_522 = arith.constant 7 : i32
      %scan3A_523 = arith.addi %scan3A_209, %scan3A_522 : i32
      %get3A_524 = arith.constant 0 : index
      %get3A_525 = arith.constant 0 : index
      %get3A_526 = arith.index_cast %scan3A_523 : i32 to index
      %get3A_527 = memref.load %arg3[%get3A_524, %get3A_525, %get3A_526] : memref<1x6x208xf32, #tpu.memory_space<smem>>
      %get3A_528 = arith.constant 0 : index
      %get3A_529 = arith.constant 1 : index
      %get3A_530 = arith.index_cast %scan3A_523 : i32 to index
      %get3A_531 = memref.load %arg3[%get3A_528, %get3A_529, %get3A_530] : memref<1x6x208xf32, #tpu.memory_space<smem>>
      %get3A_532 = arith.constant 0 : index
      %get3A_533 = arith.constant 2 : index
      %get3A_534 = arith.index_cast %scan3A_523 : i32 to index
      %get3A_535 = memref.load %arg3[%get3A_532, %get3A_533, %get3A_534] : memref<1x6x208xf32, #tpu.memory_space<smem>>
      %get3A_536 = arith.constant 0 : index
      %get3A_537 = arith.constant 3 : index
      %get3A_538 = arith.index_cast %scan3A_523 : i32 to index
      %get3A_539 = memref.load %arg3[%get3A_536, %get3A_537, %get3A_538] : memref<1x6x208xf32, #tpu.memory_space<smem>>
      %get3A_540 = arith.constant 0 : index
      %get3A_541 = arith.constant 4 : index
      %get3A_542 = arith.index_cast %scan3A_523 : i32 to index
      %get3A_543 = memref.load %arg3[%get3A_540, %get3A_541, %get3A_542] : memref<1x6x208xf32, #tpu.memory_space<smem>>
      %max3A_544 = vector.broadcast %get3A_527 : f32 to vector<8x128xf32>
      %max3A_545 = arith.maximumf %sub3A, %max3A_544 : vector<8x128xf32>
      %min3A_546 = vector.broadcast %get3A_531 : f32 to vector<8x128xf32>
      %min3A_547 = arith.minimumf %add3A_84, %min3A_546 : vector<8x128xf32>
      %max3A_548 = vector.broadcast %get3A_535 : f32 to vector<8x128xf32>
      %max3A_549 = arith.maximumf %sub3A_88, %max3A_548 : vector<8x128xf32>
      %min3A_550 = vector.broadcast %get3A_539 : f32 to vector<8x128xf32>
      %min3A_551 = arith.minimumf %add3A_92, %min3A_550 : vector<8x128xf32>
      %sub3A_552 = arith.subf %min3A_547, %max3A_545 : vector<8x128xf32>
      %max3A_553 = arith.constant 0.000000e+00 : f32
      %max3A_554 = vector.broadcast %max3A_553 : f32 to vector<8x128xf32>
      %max3A_555 = arith.maximumf %sub3A_552, %max3A_554 : vector<8x128xf32>
      %sub3A_556 = arith.subf %min3A_551, %max3A_549 : vector<8x128xf32>
      %max3A_557 = arith.constant 0.000000e+00 : f32
      %max3A_558 = vector.broadcast %max3A_557 : f32 to vector<8x128xf32>
      %max3A_559 = arith.maximumf %sub3A_556, %max3A_558 : vector<8x128xf32>
      %mul3A_560 = arith.mulf %max3A_555, %max3A_559 : vector<8x128xf32>
      %mul3A_561 = arith.constant 1.600000e+00 : f32
      %mul3A_562 = vector.broadcast %mul3A_561 : f32 to vector<8x128xf32>
      %mul3A_563 = arith.mulf %mul3A_562, %mul3A_560 : vector<8x128xf32>
      %add3A_564 = vector.broadcast %get3A_543 : f32 to vector<8x128xf32>
      %add3A_565 = arith.addf %mul3A_563, %add3A_564 : vector<8x128xf32>
      %max3A_566 = arith.maximumf %max3A_521, %add3A_565 : vector<8x128xf32>
      %scan3A_567 = arith.constant 8 : i32
      %scan3A_568 = arith.addi %scan3A_209, %scan3A_567 : i32
      %get3A_569 = arith.constant 0 : index
      %get3A_570 = arith.constant 0 : index
      %get3A_571 = arith.index_cast %scan3A_568 : i32 to index
      %get3A_572 = memref.load %arg3[%get3A_569, %get3A_570, %get3A_571] : memref<1x6x208xf32, #tpu.memory_space<smem>>
      %get3A_573 = arith.constant 0 : index
      %get3A_574 = arith.constant 1 : index
      %get3A_575 = arith.index_cast %scan3A_568 : i32 to index
      %get3A_576 = memref.load %arg3[%get3A_573, %get3A_574, %get3A_575] : memref<1x6x208xf32, #tpu.memory_space<smem>>
      %get3A_577 = arith.constant 0 : index
      %get3A_578 = arith.constant 2 : index
      %get3A_579 = arith.index_cast %scan3A_568 : i32 to index
      %get3A_580 = memref.load %arg3[%get3A_577, %get3A_578, %get3A_579] : memref<1x6x208xf32, #tpu.memory_space<smem>>
      %get3A_581 = arith.constant 0 : index
      %get3A_582 = arith.constant 3 : index
      %get3A_583 = arith.index_cast %scan3A_568 : i32 to index
      %get3A_584 = memref.load %arg3[%get3A_581, %get3A_582, %get3A_583] : memref<1x6x208xf32, #tpu.memory_space<smem>>
      %get3A_585 = arith.constant 0 : index
      %get3A_586 = arith.constant 4 : index
      %get3A_587 = arith.index_cast %scan3A_568 : i32 to index
      %get3A_588 = memref.load %arg3[%get3A_585, %get3A_586, %get3A_587] : memref<1x6x208xf32, #tpu.memory_space<smem>>
      %max3A_589 = vector.broadcast %get3A_572 : f32 to vector<8x128xf32>
      %max3A_590 = arith.maximumf %sub3A, %max3A_589 : vector<8x128xf32>
      %min3A_591 = vector.broadcast %get3A_576 : f32 to vector<8x128xf32>
      %min3A_592 = arith.minimumf %add3A_84, %min3A_591 : vector<8x128xf32>
      %max3A_593 = vector.broadcast %get3A_580 : f32 to vector<8x128xf32>
      %max3A_594 = arith.maximumf %sub3A_88, %max3A_593 : vector<8x128xf32>
      %min3A_595 = vector.broadcast %get3A_584 : f32 to vector<8x128xf32>
      %min3A_596 = arith.minimumf %add3A_92, %min3A_595 : vector<8x128xf32>
      %sub3A_597 = arith.subf %min3A_592, %max3A_590 : vector<8x128xf32>
      %max3A_598 = arith.constant 0.000000e+00 : f32
      %max3A_599 = vector.broadcast %max3A_598 : f32 to vector<8x128xf32>
      %max3A_600 = arith.maximumf %sub3A_597, %max3A_599 : vector<8x128xf32>
      %sub3A_601 = arith.subf %min3A_596, %max3A_594 : vector<8x128xf32>
      %max3A_602 = arith.constant 0.000000e+00 : f32
      %max3A_603 = vector.broadcast %max3A_602 : f32 to vector<8x128xf32>
      %max3A_604 = arith.maximumf %sub3A_601, %max3A_603 : vector<8x128xf32>
      %mul3A_605 = arith.mulf %max3A_600, %max3A_604 : vector<8x128xf32>
      %mul3A_606 = arith.constant 1.600000e+00 : f32
      %mul3A_607 = vector.broadcast %mul3A_606 : f32 to vector<8x128xf32>
      %mul3A_608 = arith.mulf %mul3A_607, %mul3A_605 : vector<8x128xf32>
      %add3A_609 = vector.broadcast %get3A_588 : f32 to vector<8x128xf32>
      %add3A_610 = arith.addf %mul3A_608, %add3A_609 : vector<8x128xf32>
      %max3A_611 = arith.maximumf %max3A_566, %add3A_610 : vector<8x128xf32>
      %scan3A_612 = arith.constant 9 : i32
      %scan3A_613 = arith.addi %scan3A_209, %scan3A_612 : i32
      %get3A_614 = arith.constant 0 : index
      %get3A_615 = arith.constant 0 : index
      %get3A_616 = arith.index_cast %scan3A_613 : i32 to index
      %get3A_617 = memref.load %arg3[%get3A_614, %get3A_615, %get3A_616] : memref<1x6x208xf32, #tpu.memory_space<smem>>
      %get3A_618 = arith.constant 0 : index
      %get3A_619 = arith.constant 1 : index
      %get3A_620 = arith.index_cast %scan3A_613 : i32 to index
      %get3A_621 = memref.load %arg3[%get3A_618, %get3A_619, %get3A_620] : memref<1x6x208xf32, #tpu.memory_space<smem>>
      %get3A_622 = arith.constant 0 : index
      %get3A_623 = arith.constant 2 : index
      %get3A_624 = arith.index_cast %scan3A_613 : i32 to index
      %get3A_625 = memref.load %arg3[%get3A_622, %get3A_623, %get3A_624] : memref<1x6x208xf32, #tpu.memory_space<smem>>
      %get3A_626 = arith.constant 0 : index
      %get3A_627 = arith.constant 3 : index
      %get3A_628 = arith.index_cast %scan3A_613 : i32 to index
      %get3A_629 = memref.load %arg3[%get3A_626, %get3A_627, %get3A_628] : memref<1x6x208xf32, #tpu.memory_space<smem>>
      %get3A_630 = arith.constant 0 : index
      %get3A_631 = arith.constant 4 : index
      %get3A_632 = arith.index_cast %scan3A_613 : i32 to index
      %get3A_633 = memref.load %arg3[%get3A_630, %get3A_631, %get3A_632] : memref<1x6x208xf32, #tpu.memory_space<smem>>
      %max3A_634 = vector.broadcast %get3A_617 : f32 to vector<8x128xf32>
      %max3A_635 = arith.maximumf %sub3A, %max3A_634 : vector<8x128xf32>
      %min3A_636 = vector.broadcast %get3A_621 : f32 to vector<8x128xf32>
      %min3A_637 = arith.minimumf %add3A_84, %min3A_636 : vector<8x128xf32>
      %max3A_638 = vector.broadcast %get3A_625 : f32 to vector<8x128xf32>
      %max3A_639 = arith.maximumf %sub3A_88, %max3A_638 : vector<8x128xf32>
      %min3A_640 = vector.broadcast %get3A_629 : f32 to vector<8x128xf32>
      %min3A_641 = arith.minimumf %add3A_92, %min3A_640 : vector<8x128xf32>
      %sub3A_642 = arith.subf %min3A_637, %max3A_635 : vector<8x128xf32>
      %max3A_643 = arith.constant 0.000000e+00 : f32
      %max3A_644 = vector.broadcast %max3A_643 : f32 to vector<8x128xf32>
      %max3A_645 = arith.maximumf %sub3A_642, %max3A_644 : vector<8x128xf32>
      %sub3A_646 = arith.subf %min3A_641, %max3A_639 : vector<8x128xf32>
      %max3A_647 = arith.constant 0.000000e+00 : f32
      %max3A_648 = vector.broadcast %max3A_647 : f32 to vector<8x128xf32>
      %max3A_649 = arith.maximumf %sub3A_646, %max3A_648 : vector<8x128xf32>
      %mul3A_650 = arith.mulf %max3A_645, %max3A_649 : vector<8x128xf32>
      %mul3A_651 = arith.constant 1.600000e+00 : f32
      %mul3A_652 = vector.broadcast %mul3A_651 : f32 to vector<8x128xf32>
      %mul3A_653 = arith.mulf %mul3A_652, %mul3A_650 : vector<8x128xf32>
      %add3A_654 = vector.broadcast %get3A_633 : f32 to vector<8x128xf32>
      %add3A_655 = arith.addf %mul3A_653, %add3A_654 : vector<8x128xf32>
      %max3A_656 = arith.maximumf %max3A_611, %add3A_655 : vector<8x128xf32>
      %scan3A_657 = arith.constant 10 : i32
      %scan3A_658 = arith.addi %scan3A_209, %scan3A_657 : i32
      %get3A_659 = arith.constant 0 : index
      %get3A_660 = arith.constant 0 : index
      %get3A_661 = arith.index_cast %scan3A_658 : i32 to index
      %get3A_662 = memref.load %arg3[%get3A_659, %get3A_660, %get3A_661] : memref<1x6x208xf32, #tpu.memory_space<smem>>
      %get3A_663 = arith.constant 0 : index
      %get3A_664 = arith.constant 1 : index
      %get3A_665 = arith.index_cast %scan3A_658 : i32 to index
      %get3A_666 = memref.load %arg3[%get3A_663, %get3A_664, %get3A_665] : memref<1x6x208xf32, #tpu.memory_space<smem>>
      %get3A_667 = arith.constant 0 : index
      %get3A_668 = arith.constant 2 : index
      %get3A_669 = arith.index_cast %scan3A_658 : i32 to index
      %get3A_670 = memref.load %arg3[%get3A_667, %get3A_668, %get3A_669] : memref<1x6x208xf32, #tpu.memory_space<smem>>
      %get3A_671 = arith.constant 0 : index
      %get3A_672 = arith.constant 3 : index
      %get3A_673 = arith.index_cast %scan3A_658 : i32 to index
      %get3A_674 = memref.load %arg3[%get3A_671, %get3A_672, %get3A_673] : memref<1x6x208xf32, #tpu.memory_space<smem>>
      %get3A_675 = arith.constant 0 : index
      %get3A_676 = arith.constant 4 : index
      %get3A_677 = arith.index_cast %scan3A_658 : i32 to index
      %get3A_678 = memref.load %arg3[%get3A_675, %get3A_676, %get3A_677] : memref<1x6x208xf32, #tpu.memory_space<smem>>
      %max3A_679 = vector.broadcast %get3A_662 : f32 to vector<8x128xf32>
      %max3A_680 = arith.maximumf %sub3A, %max3A_679 : vector<8x128xf32>
      %min3A_681 = vector.broadcast %get3A_666 : f32 to vector<8x128xf32>
      %min3A_682 = arith.minimumf %add3A_84, %min3A_681 : vector<8x128xf32>
      %max3A_683 = vector.broadcast %get3A_670 : f32 to vector<8x128xf32>
      %max3A_684 = arith.maximumf %sub3A_88, %max3A_683 : vector<8x128xf32>
      %min3A_685 = vector.broadcast %get3A_674 : f32 to vector<8x128xf32>
      %min3A_686 = arith.minimumf %add3A_92, %min3A_685 : vector<8x128xf32>
      %sub3A_687 = arith.subf %min3A_682, %max3A_680 : vector<8x128xf32>
      %max3A_688 = arith.constant 0.000000e+00 : f32
      %max3A_689 = vector.broadcast %max3A_688 : f32 to vector<8x128xf32>
      %max3A_690 = arith.maximumf %sub3A_687, %max3A_689 : vector<8x128xf32>
      %sub3A_691 = arith.subf %min3A_686, %max3A_684 : vector<8x128xf32>
      %max3A_692 = arith.constant 0.000000e+00 : f32
      %max3A_693 = vector.broadcast %max3A_692 : f32 to vector<8x128xf32>
      %max3A_694 = arith.maximumf %sub3A_691, %max3A_693 : vector<8x128xf32>
      %mul3A_695 = arith.mulf %max3A_690, %max3A_694 : vector<8x128xf32>
      %mul3A_696 = arith.constant 1.600000e+00 : f32
      %mul3A_697 = vector.broadcast %mul3A_696 : f32 to vector<8x128xf32>
      %mul3A_698 = arith.mulf %mul3A_697, %mul3A_695 : vector<8x128xf32>
      %add3A_699 = vector.broadcast %get3A_678 : f32 to vector<8x128xf32>
      %add3A_700 = arith.addf %mul3A_698, %add3A_699 : vector<8x128xf32>
      %max3A_701 = arith.maximumf %max3A_656, %add3A_700 : vector<8x128xf32>
      %scan3A_702 = arith.constant 11 : i32
      %scan3A_703 = arith.addi %scan3A_209, %scan3A_702 : i32
      %get3A_704 = arith.constant 0 : index
      %get3A_705 = arith.constant 0 : index
      %get3A_706 = arith.index_cast %scan3A_703 : i32 to index
      %get3A_707 = memref.load %arg3[%get3A_704, %get3A_705, %get3A_706] : memref<1x6x208xf32, #tpu.memory_space<smem>>
      %get3A_708 = arith.constant 0 : index
      %get3A_709 = arith.constant 1 : index
      %get3A_710 = arith.index_cast %scan3A_703 : i32 to index
      %get3A_711 = memref.load %arg3[%get3A_708, %get3A_709, %get3A_710] : memref<1x6x208xf32, #tpu.memory_space<smem>>
      %get3A_712 = arith.constant 0 : index
      %get3A_713 = arith.constant 2 : index
      %get3A_714 = arith.index_cast %scan3A_703 : i32 to index
      %get3A_715 = memref.load %arg3[%get3A_712, %get3A_713, %get3A_714] : memref<1x6x208xf32, #tpu.memory_space<smem>>
      %get3A_716 = arith.constant 0 : index
      %get3A_717 = arith.constant 3 : index
      %get3A_718 = arith.index_cast %scan3A_703 : i32 to index
      %get3A_719 = memref.load %arg3[%get3A_716, %get3A_717, %get3A_718] : memref<1x6x208xf32, #tpu.memory_space<smem>>
      %get3A_720 = arith.constant 0 : index
      %get3A_721 = arith.constant 4 : index
      %get3A_722 = arith.index_cast %scan3A_703 : i32 to index
      %get3A_723 = memref.load %arg3[%get3A_720, %get3A_721, %get3A_722] : memref<1x6x208xf32, #tpu.memory_space<smem>>
      %max3A_724 = vector.broadcast %get3A_707 : f32 to vector<8x128xf32>
      %max3A_725 = arith.maximumf %sub3A, %max3A_724 : vector<8x128xf32>
      %min3A_726 = vector.broadcast %get3A_711 : f32 to vector<8x128xf32>
      %min3A_727 = arith.minimumf %add3A_84, %min3A_726 : vector<8x128xf32>
      %max3A_728 = vector.broadcast %get3A_715 : f32 to vector<8x128xf32>
      %max3A_729 = arith.maximumf %sub3A_88, %max3A_728 : vector<8x128xf32>
      %min3A_730 = vector.broadcast %get3A_719 : f32 to vector<8x128xf32>
      %min3A_731 = arith.minimumf %add3A_92, %min3A_730 : vector<8x128xf32>
      %sub3A_732 = arith.subf %min3A_727, %max3A_725 : vector<8x128xf32>
      %max3A_733 = arith.constant 0.000000e+00 : f32
      %max3A_734 = vector.broadcast %max3A_733 : f32 to vector<8x128xf32>
      %max3A_735 = arith.maximumf %sub3A_732, %max3A_734 : vector<8x128xf32>
      %sub3A_736 = arith.subf %min3A_731, %max3A_729 : vector<8x128xf32>
      %max3A_737 = arith.constant 0.000000e+00 : f32
      %max3A_738 = vector.broadcast %max3A_737 : f32 to vector<8x128xf32>
      %max3A_739 = arith.maximumf %sub3A_736, %max3A_738 : vector<8x128xf32>
      %mul3A_740 = arith.mulf %max3A_735, %max3A_739 : vector<8x128xf32>
      %mul3A_741 = arith.constant 1.600000e+00 : f32
      %mul3A_742 = vector.broadcast %mul3A_741 : f32 to vector<8x128xf32>
      %mul3A_743 = arith.mulf %mul3A_742, %mul3A_740 : vector<8x128xf32>
      %add3A_744 = vector.broadcast %get3A_723 : f32 to vector<8x128xf32>
      %add3A_745 = arith.addf %mul3A_743, %add3A_744 : vector<8x128xf32>
      %max3A_746 = arith.maximumf %max3A_701, %add3A_745 : vector<8x128xf32>
      %scan3A_747 = arith.constant 12 : i32
      %scan3A_748 = arith.addi %scan3A_209, %scan3A_747 : i32
      %get3A_749 = arith.constant 0 : index
      %get3A_750 = arith.constant 0 : index
      %get3A_751 = arith.index_cast %scan3A_748 : i32 to index
      %get3A_752 = memref.load %arg3[%get3A_749, %get3A_750, %get3A_751] : memref<1x6x208xf32, #tpu.memory_space<smem>>
      %get3A_753 = arith.constant 0 : index
      %get3A_754 = arith.constant 1 : index
      %get3A_755 = arith.index_cast %scan3A_748 : i32 to index
      %get3A_756 = memref.load %arg3[%get3A_753, %get3A_754, %get3A_755] : memref<1x6x208xf32, #tpu.memory_space<smem>>
      %get3A_757 = arith.constant 0 : index
      %get3A_758 = arith.constant 2 : index
      %get3A_759 = arith.index_cast %scan3A_748 : i32 to index
      %get3A_760 = memref.load %arg3[%get3A_757, %get3A_758, %get3A_759] : memref<1x6x208xf32, #tpu.memory_space<smem>>
      %get3A_761 = arith.constant 0 : index
      %get3A_762 = arith.constant 3 : index
      %get3A_763 = arith.index_cast %scan3A_748 : i32 to index
      %get3A_764 = memref.load %arg3[%get3A_761, %get3A_762, %get3A_763] : memref<1x6x208xf32, #tpu.memory_space<smem>>
      %get3A_765 = arith.constant 0 : index
      %get3A_766 = arith.constant 4 : index
      %get3A_767 = arith.index_cast %scan3A_748 : i32 to index
      %get3A_768 = memref.load %arg3[%get3A_765, %get3A_766, %get3A_767] : memref<1x6x208xf32, #tpu.memory_space<smem>>
      %max3A_769 = vector.broadcast %get3A_752 : f32 to vector<8x128xf32>
      %max3A_770 = arith.maximumf %sub3A, %max3A_769 : vector<8x128xf32>
      %min3A_771 = vector.broadcast %get3A_756 : f32 to vector<8x128xf32>
      %min3A_772 = arith.minimumf %add3A_84, %min3A_771 : vector<8x128xf32>
      %max3A_773 = vector.broadcast %get3A_760 : f32 to vector<8x128xf32>
      %max3A_774 = arith.maximumf %sub3A_88, %max3A_773 : vector<8x128xf32>
      %min3A_775 = vector.broadcast %get3A_764 : f32 to vector<8x128xf32>
      %min3A_776 = arith.minimumf %add3A_92, %min3A_775 : vector<8x128xf32>
      %sub3A_777 = arith.subf %min3A_772, %max3A_770 : vector<8x128xf32>
      %max3A_778 = arith.constant 0.000000e+00 : f32
      %max3A_779 = vector.broadcast %max3A_778 : f32 to vector<8x128xf32>
      %max3A_780 = arith.maximumf %sub3A_777, %max3A_779 : vector<8x128xf32>
      %sub3A_781 = arith.subf %min3A_776, %max3A_774 : vector<8x128xf32>
      %max3A_782 = arith.constant 0.000000e+00 : f32
      %max3A_783 = vector.broadcast %max3A_782 : f32 to vector<8x128xf32>
      %max3A_784 = arith.maximumf %sub3A_781, %max3A_783 : vector<8x128xf32>
      %mul3A_785 = arith.mulf %max3A_780, %max3A_784 : vector<8x128xf32>
      %mul3A_786 = arith.constant 1.600000e+00 : f32
      %mul3A_787 = vector.broadcast %mul3A_786 : f32 to vector<8x128xf32>
      %mul3A_788 = arith.mulf %mul3A_787, %mul3A_785 : vector<8x128xf32>
      %add3A_789 = vector.broadcast %get3A_768 : f32 to vector<8x128xf32>
      %add3A_790 = arith.addf %mul3A_788, %add3A_789 : vector<8x128xf32>
      %max3A_791 = arith.maximumf %max3A_746, %add3A_790 : vector<8x128xf32>
      %scan3A_792 = arith.constant 13 : i32
      %scan3A_793 = arith.addi %scan3A_209, %scan3A_792 : i32
      %get3A_794 = arith.constant 0 : index
      %get3A_795 = arith.constant 0 : index
      %get3A_796 = arith.index_cast %scan3A_793 : i32 to index
      %get3A_797 = memref.load %arg3[%get3A_794, %get3A_795, %get3A_796] : memref<1x6x208xf32, #tpu.memory_space<smem>>
      %get3A_798 = arith.constant 0 : index
      %get3A_799 = arith.constant 1 : index
      %get3A_800 = arith.index_cast %scan3A_793 : i32 to index
      %get3A_801 = memref.load %arg3[%get3A_798, %get3A_799, %get3A_800] : memref<1x6x208xf32, #tpu.memory_space<smem>>
      %get3A_802 = arith.constant 0 : index
      %get3A_803 = arith.constant 2 : index
      %get3A_804 = arith.index_cast %scan3A_793 : i32 to index
      %get3A_805 = memref.load %arg3[%get3A_802, %get3A_803, %get3A_804] : memref<1x6x208xf32, #tpu.memory_space<smem>>
      %get3A_806 = arith.constant 0 : index
      %get3A_807 = arith.constant 3 : index
      %get3A_808 = arith.index_cast %scan3A_793 : i32 to index
      %get3A_809 = memref.load %arg3[%get3A_806, %get3A_807, %get3A_808] : memref<1x6x208xf32, #tpu.memory_space<smem>>
      %get3A_810 = arith.constant 0 : index
      %get3A_811 = arith.constant 4 : index
      %get3A_812 = arith.index_cast %scan3A_793 : i32 to index
      %get3A_813 = memref.load %arg3[%get3A_810, %get3A_811, %get3A_812] : memref<1x6x208xf32, #tpu.memory_space<smem>>
      %max3A_814 = vector.broadcast %get3A_797 : f32 to vector<8x128xf32>
      %max3A_815 = arith.maximumf %sub3A, %max3A_814 : vector<8x128xf32>
      %min3A_816 = vector.broadcast %get3A_801 : f32 to vector<8x128xf32>
      %min3A_817 = arith.minimumf %add3A_84, %min3A_816 : vector<8x128xf32>
      %max3A_818 = vector.broadcast %get3A_805 : f32 to vector<8x128xf32>
      %max3A_819 = arith.maximumf %sub3A_88, %max3A_818 : vector<8x128xf32>
      %min3A_820 = vector.broadcast %get3A_809 : f32 to vector<8x128xf32>
      %min3A_821 = arith.minimumf %add3A_92, %min3A_820 : vector<8x128xf32>
      %sub3A_822 = arith.subf %min3A_817, %max3A_815 : vector<8x128xf32>
      %max3A_823 = arith.constant 0.000000e+00 : f32
      %max3A_824 = vector.broadcast %max3A_823 : f32 to vector<8x128xf32>
      %max3A_825 = arith.maximumf %sub3A_822, %max3A_824 : vector<8x128xf32>
      %sub3A_826 = arith.subf %min3A_821, %max3A_819 : vector<8x128xf32>
      %max3A_827 = arith.constant 0.000000e+00 : f32
      %max3A_828 = vector.broadcast %max3A_827 : f32 to vector<8x128xf32>
      %max3A_829 = arith.maximumf %sub3A_826, %max3A_828 : vector<8x128xf32>
      %mul3A_830 = arith.mulf %max3A_825, %max3A_829 : vector<8x128xf32>
      %mul3A_831 = arith.constant 1.600000e+00 : f32
      %mul3A_832 = vector.broadcast %mul3A_831 : f32 to vector<8x128xf32>
      %mul3A_833 = arith.mulf %mul3A_832, %mul3A_830 : vector<8x128xf32>
      %add3A_834 = vector.broadcast %get3A_813 : f32 to vector<8x128xf32>
      %add3A_835 = arith.addf %mul3A_833, %add3A_834 : vector<8x128xf32>
      %max3A_836 = arith.maximumf %max3A_791, %add3A_835 : vector<8x128xf32>
      scf.yield %max3A_836 : vector<8x128xf32>
    }
    %scan3A_102 = arith.constant 196 : i32
    %add3A_103 = arith.addf %scan3A_101, %mul3A_96 : vector<8x128xf32>
    %le3A = arith.constant 0.000000e+00 : f32
    %le3A_104 = vector.broadcast %le3A : f32 to vector<8x128xf32>
    %le3A_105 = arith.cmpf ole, %add3A_103, %le3A_104 : vector<8x128xf32>
    %mul3A_106 = arith.constant 5.000000e-01 : f32
    %mul3A_107 = vector.broadcast %mul3A_106 : f32 to vector<8x128xf32>
    %mul3A_108 = arith.mulf %mul3A_107, %reshape3A_26 : vector<8x128xf32>
    %jit3A = arith.constant 0.000000e+00 : f32
    %broadcast_in_dim3A_109 = vector.broadcast %jit3A : f32 to vector<8x128xf32>
    %select_n3A = arith.select %le3A_105, %mul3A_108, %broadcast_in_dim3A_109 : vector<8x128xi1>, vector<8x128xf32>
    %get3A_110 = arith.constant 0 : index
    %get3A_111 = arith.constant 5 : index
    %get3A_112 = arith.constant 0 : index
    %get3A_113 = vector.load %arg2[%get3A_110, %get3A_111, %get3A_112] : memref<1x6x1024xf32, #tpu.memory_space<vmem>>, vector<1x1x1024xf32>
    %get3A_114 = vector.shape_cast %get3A_113 : vector<1x1x1024xf32> to vector<1024xf32>
    %reshape3A_115 = vector.shape_cast %get3A_114 : vector<1024xf32> to vector<8x128xf32>
    %sub3A_116 = arith.constant 1.000000e+00 : f32
    %sub3A_117 = vector.broadcast %sub3A_116 : f32 to vector<8x128xf32>
    %sub3A_118 = arith.subf %sub3A_117, %reshape3A_115 : vector<8x128xf32>
    %broadcast_in_dim3A_119 = arith.constant 0.000000e+00 : f32
    %broadcast_in_dim3A_120 = vector.broadcast %broadcast_in_dim3A_119 : f32 to vector<8x128xf32>
    %sub3A_121 = arith.constant 5.000000e-01 : f32
    %sub3A_122 = vector.broadcast %sub3A_121 : f32 to vector<8x128xf32>
    %sub3A_123 = arith.subf %div3A_56, %sub3A_122 : vector<8x128xf32>
    %mul3A_124 = vector.broadcast %get3A_1 : f32 to vector<8x128xf32>
    %mul3A_125 = arith.mulf %mul3A_124, %sub3A_123 : vector<8x128xf32>
    %sub3A_126 = arith.constant 5.000000e-01 : f32
    %sub3A_127 = vector.broadcast %sub3A_126 : f32 to vector<8x128xf32>
    %sub3A_128 = arith.subf %div3A_66, %sub3A_127 : vector<8x128xf32>
    %mul3A_129 = vector.broadcast %get3A_1 : f32 to vector<8x128xf32>
    %mul3A_130 = arith.mulf %mul3A_129, %sub3A_128 : vector<8x128xf32>
    %mul3A_131 = vector.broadcast %get3A_1 : f32 to vector<8x128xf32>
    %mul3A_132 = arith.mulf %mul3A_131, %reshape3A_44 : vector<8x128xf32>
    %mul3A_133 = vector.broadcast %get3A_1 : f32 to vector<8x128xf32>
    %mul3A_134 = arith.mulf %mul3A_133, %reshape3A_50 : vector<8x128xf32>
    %get3A_135 = arith.constant 0 : index
    %get3A_136 = arith.constant 0 : index
    %get3A_137 = arith.constant 0 : index
    %get3A_138 = vector.load %arg2[%get3A_135, %get3A_136, %get3A_137] : memref<1x6x1024xf32, #tpu.memory_space<vmem>>, vector<1x1x1024xf32>
    %get3A_139 = vector.shape_cast %get3A_138 : vector<1x1x1024xf32> to vector<1024xf32>
    %reshape3A_140 = vector.shape_cast %get3A_139 : vector<1024xf32> to vector<8x128xf32>
    %mul3A_141 = arith.mulf %reshape3A_115, %reshape3A_140 : vector<8x128xf32>
    %mul3A_142 = arith.mulf %sub3A_118, %mul3A_125 : vector<8x128xf32>
    %add3A_143 = arith.addf %mul3A_141, %mul3A_142 : vector<8x128xf32>
    %mul3A_144 = arith.mulf %add3A_143, %add3A_143 : vector<8x128xf32>
    %add3A_145 = arith.addf %broadcast_in_dim3A_120, %mul3A_144 : vector<8x128xf32>
    %get3A_146 = arith.constant 0 : index
    %get3A_147 = arith.constant 1 : index
    %get3A_148 = arith.constant 0 : index
    %get3A_149 = vector.load %arg2[%get3A_146, %get3A_147, %get3A_148] : memref<1x6x1024xf32, #tpu.memory_space<vmem>>, vector<1x1x1024xf32>
    %get3A_150 = vector.shape_cast %get3A_149 : vector<1x1x1024xf32> to vector<1024xf32>
    %reshape3A_151 = vector.shape_cast %get3A_150 : vector<1024xf32> to vector<8x128xf32>
    %mul3A_152 = arith.mulf %reshape3A_115, %reshape3A_151 : vector<8x128xf32>
    %mul3A_153 = arith.mulf %sub3A_118, %mul3A_130 : vector<8x128xf32>
    %add3A_154 = arith.addf %mul3A_152, %mul3A_153 : vector<8x128xf32>
    %mul3A_155 = arith.mulf %add3A_154, %add3A_154 : vector<8x128xf32>
    %add3A_156 = arith.addf %add3A_145, %mul3A_155 : vector<8x128xf32>
    %get3A_157 = arith.constant 0 : index
    %get3A_158 = arith.constant 2 : index
    %get3A_159 = arith.constant 0 : index
    %get3A_160 = vector.load %arg2[%get3A_157, %get3A_158, %get3A_159] : memref<1x6x1024xf32, #tpu.memory_space<vmem>>, vector<1x1x1024xf32>
    %get3A_161 = vector.shape_cast %get3A_160 : vector<1x1x1024xf32> to vector<1024xf32>
    %reshape3A_162 = vector.shape_cast %get3A_161 : vector<1024xf32> to vector<8x128xf32>
    %mul3A_163 = arith.mulf %reshape3A_115, %reshape3A_162 : vector<8x128xf32>
    %mul3A_164 = arith.mulf %sub3A_118, %mul3A_132 : vector<8x128xf32>
    %add3A_165 = arith.addf %mul3A_163, %mul3A_164 : vector<8x128xf32>
    %mul3A_166 = arith.mulf %add3A_165, %add3A_165 : vector<8x128xf32>
    %add3A_167 = arith.addf %add3A_156, %mul3A_166 : vector<8x128xf32>
    %get3A_168 = arith.constant 0 : index
    %get3A_169 = arith.constant 3 : index
    %get3A_170 = arith.constant 0 : index
    %get3A_171 = vector.load %arg2[%get3A_168, %get3A_169, %get3A_170] : memref<1x6x1024xf32, #tpu.memory_space<vmem>>, vector<1x1x1024xf32>
    %get3A_172 = vector.shape_cast %get3A_171 : vector<1x1x1024xf32> to vector<1024xf32>
    %reshape3A_173 = vector.shape_cast %get3A_172 : vector<1024xf32> to vector<8x128xf32>
    %mul3A_174 = arith.mulf %reshape3A_115, %reshape3A_173 : vector<8x128xf32>
    %mul3A_175 = arith.mulf %sub3A_118, %mul3A_134 : vector<8x128xf32>
    %add3A_176 = arith.addf %mul3A_174, %mul3A_175 : vector<8x128xf32>
    %mul3A_177 = arith.mulf %add3A_176, %add3A_176 : vector<8x128xf32>
    %add3A_178 = arith.addf %add3A_167, %mul3A_177 : vector<8x128xf32>
    %get3A_179 = arith.constant 0 : index
    %get3A_180 = arith.constant 4 : index
    %get3A_181 = arith.constant 0 : index
    %get3A_182 = vector.load %arg2[%get3A_179, %get3A_180, %get3A_181] : memref<1x6x1024xf32, #tpu.memory_space<vmem>>, vector<1x1x1024xf32>
    %get3A_183 = vector.shape_cast %get3A_182 : vector<1x1x1024xf32> to vector<1024xf32>
    %reshape3A_184 = vector.shape_cast %get3A_183 : vector<1024xf32> to vector<8x128xf32>
    %mul3A_185 = arith.mulf %reshape3A_115, %reshape3A_184 : vector<8x128xf32>
    %mul3A_186 = arith.mulf %sub3A_118, %select_n3A : vector<8x128xf32>
    %add3A_187 = arith.addf %mul3A_185, %mul3A_186 : vector<8x128xf32>
    %mul3A_188 = arith.mulf %add3A_187, %add3A_187 : vector<8x128xf32>
    %add3A_189 = arith.addf %add3A_178, %mul3A_188 : vector<8x128xf32>
    %get3A_190 = arith.constant 0 : index
    %get3A_191 = arith.constant 5 : index
    %get3A_192 = arith.constant 0 : index
    %get3A_193 = memref.load %arg3[%get3A_190, %get3A_191, %get3A_192] : memref<1x6x208xf32, #tpu.memory_space<smem>>
    %get3A_194 = arith.constant 0 : index
    %get3A_195 = arith.constant 5 : index
    %get3A_196 = arith.constant 1 : index
    %get3A_197 = memref.load %arg3[%get3A_194, %get3A_195, %get3A_196] : memref<1x6x208xf32, #tpu.memory_space<smem>>
    %gt3A = arith.constant 0.000000e+00 : f32
    %gt3A_198 = arith.cmpf ogt, %get3A_197, %gt3A : f32
    %reduce_sum3A = vector.shape_cast %add3A_189 : vector<8x128xf32> to vector<1x8x128xf32>
    %reduce_sum3A_199 = arith.constant dense<0.000000e+00> : vector<1xf32>
    %reduce_sum3A_200 = vector.multi_reduction <add>, %reduce_sum3A, %reduce_sum3A_199 [1, 2] : vector<1x8x128xf32> to vector<1xf32>
    %reduce_sum3A_201 = vector.shape_cast %reduce_sum3A_200 : vector<1xf32> to vector<1x1x1xf32>
    %reduce_sum3A_202 = vector.extract %reduce_sum3A_201[0, 0, 0] : f32 from vector<1x1x1xf32>
    %add3A_203 = arith.addf %reduce_sum3A_202, %get3A_193 : f32
    %jit3A_204 = arith.constant 0.000000e+00 : f32
    %select_n3A_205 = arith.select %gt3A_198, %add3A_203, %jit3A_204 : f32
    %swap3A = arith.constant 0 : index
    %swap3A_206 = arith.constant 0 : index
    %swap3A_207 = arith.constant 0 : index
    %swap3A_208 = memref.load %arg6[%swap3A, %swap3A_206, %swap3A_207] : memref<1x1x1xf32, #tpu.memory_space<smem>>
    memref.store %select_n3A_205, %arg6[%swap3A, %swap3A_206, %swap3A_207] : memref<1x1x1xf32, #tpu.memory_space<smem>>
    return
  }
  func.func @transform_0(%arg0: i32) -> (i32, i32, i32) {
    %c0_i32 = arith.constant 0 : i32
    %c0_i32_0 = arith.constant 0 : i32
    %c0_i32_1 = arith.constant 0 : i32
    return %arg0, %c0_i32, %c0_i32_0 : i32, i32, i32
  }
  func.func @transform_1(%arg0: i32) -> (i32, i32, i32) {
    %c0_i32 = arith.constant 0 : i32
    %c0_i32_0 = arith.constant 0 : i32
    %c0_i32_1 = arith.constant 0 : i32
    return %arg0, %c0_i32, %c0_i32_0 : i32, i32, i32
  }
  func.func @transform_2(%arg0: i32) -> (i32, i32, i32) {
    %c0_i32 = arith.constant 0 : i32
    %c0_i32_0 = arith.constant 0 : i32
    %c0_i32_1 = arith.constant 0 : i32
    return %arg0, %c0_i32, %c0_i32_0 : i32, i32, i32
  }
  func.func @transform_3(%arg0: i32) -> (i32, i32) {
    %c0_i32 = arith.constant 0 : i32
    %c0_i32_0 = arith.constant 0 : i32
    %c0_i32_1 = arith.constant 0 : i32
    return %c0_i32, %c0_i32_0 : i32, i32
  }
  func.func @transform_4(%arg0: i32) -> (i32, i32) {
    %c0_i32 = arith.constant 0 : i32
    %c0_i32_0 = arith.constant 0 : i32
    %c0_i32_1 = arith.constant 0 : i32
    return %c0_i32, %c0_i32_0 : i32, i32
  }
  func.func @transform_5(%arg0: i32) -> (i32, i32, i32) {
    %c0_i32 = arith.constant 0 : i32
    %c0_i32_0 = arith.constant 0 : i32
    %c0_i32_1 = arith.constant 0 : i32
    return %arg0, %c0_i32, %c0_i32_0 : i32, i32, i32
  }
}

</mosaic_0001>

<sc_bundles>
// kernel: kernel.4.cloned.1.call-start
scs
__scs_entry_jumppad:
0x0: {  	(pc) =	sbr.rel $0x88, $3  }
0x1: {  	(tag) =	ssettag $0x0;
	lr =	simm.s32 $0x1  }
0x2: {  	[smem:$0x3F9E] =	sst lr;
	_ =	strace $0xD0000000  }
0x3: {  	_ = 	snop  }
0x4: {  	_ = 	snop  }
0x5: {  	_ = 	snop  }
0x6: {  	_ = 	snop  }
0x7: {  	_ = 	snop  }
__scs_overlays_trampoline_lowered:
0x8: {  	[smem:$0x3FAD] =	sst s0  }
0x9: {  	[smem:$0x3FAE] =	sst s1  }
0xa: {  	[smem:$0x3FAF] =	sst s2  }
0xb: {  	[smem:$0x3FB0] =	sst s3  }
0xc: {  	[smem:$0x3FB1] =	sst s4  }
0xd: {  	[smem:$0x3FB2] =	sst s5  }
0xe: {  	[smem:$0x3FB3] =	sst s6  }
0xf: {  	[smem:$0x3FB4] =	sst s7  }
0x10: {  	[smem:$0x3FB5] =	sst s8  }
0x11: {  	[smem:$0x3FB6] =	sst s9;
	s0 =	simm.s32 @!p0 $0x0  }
0x12: {  	s1 =	sld [smem:$0x3F9C];
	s0 =	simm.s32 @p0 $0x1  }
0x13: {  	[smem:$0x3FB7] =	sst s0;
	s0 =	simm.s32 @!p1 $0x0  }
0x14: {  	s2 =	sld [smem:$0x3F9B];
	s0 =	simm.s32 @p1 $0x1  }
0x15: {  	[smem:$0x3FB8] =	sst s0;
	s0 =	simm.s32 @!p2 $0x0  }
0x16: {  	s3 =	sld [smem:$0x3FDB];
	s0 =	simm.s32 @p2 $0x1  }
0x17: {  	s4 =	simm.s32 $0x1BF5;
	[smem:$0x3FBA] =	sst s0  }
0x18: {  	s0 =	sld [smem:$0x3F9D];
	_ =	swait.ge [sflag:s4], $0x0  }
0x19: {  	s7 =	sld [smem:$0x3F9E]  }
0x1a: {  	s8 =	sadd.s32 $0xFFFFE003, lr  }
0x1b: {  	s9 =	sadd.s32 $0xFFFFFEF7, lr;
	s5 =	simm.s32 $0xFFFFFFFF;
	p2 =	slt.u32 s8, $0xFFFFF086  }
0x1c: {  	p1 =	slt.u32 s9, $0xF7A;
	s5 =	simm.s32 @!p2 $0x0  }
0x1d: {  	s5 =	simm.s32 @p1 $0x1;
	p0 =	seq.s32 s7, s2  }
0x1e: {  	s7 =	smul.u32 @!p0 $0xF7A, s2;
	p2 =	seq.s32 @!p0 s5, $0x0  }
0x1f: {  	s9 =	smul.u32 $0xF7A, s1;
	s8 =	simm.s32 @!p0 $0x1BF5;
	p2 =	por !p2, p0  }
0x20: {  	[sflag:s8] =	ssyncset.s32 @!p0 $0xFFFFF086;
	s6 =	sadd.s32 @!p0 s3, s7;
	s7 =	simm.s32 @!p0 $0x108  }
0x21: {  	s3 =	sadd.s32 s3, s9;
	s6 =	sadd.s32 @!p0 $0x88, s6;
	s7 =	simm.s32 @p2 $0x1082  }
0x22: {  	[simem:s7], [sflag:s8] =	dma.local @!p0 [hbm:s6], $0xF7A  }
0x23: {  	s9 =	sor.u32 $0xD0000000, s2;
	s6 =	simm.s32 $0x108;
	_ =	swait.ge @!p0 [sflag:s8], $0x0  }
0x24: {  	s3 =	sadd.s32 $0x88, s3;
	s6 =	simm.s32 @!p1 $0x1082;
	[sflag:s4] =	ssyncset.s32 $0xFFFFF086  }
0x25: {  	[simem:s6], [sflag:s4] =	dma.local [hbm:s3], $0xF7A  }
0x26: {  	[smem:$0x3F9E] =	sst s1;
	(tag) =	ssettag s2;
	_ =	strace s9  }
0x27: {  	s1 =	sld [smem:$0x3FAE]  }
0x28: {  	s2 =	sld [smem:$0x3FAF]  }
0x29: {  	s4 =	sld [smem:$0x3FB1]  }
0x2a: {  	p0 =	seq.s32 s5, $0x0;
	s5 =	sld [smem:$0x3FB2]  }
0x2b: {  	s6 =	sld [smem:$0x3FB3]  }
0x2c: {  	s7 =	sld [smem:$0x3FB4]  }
0x2d: {  	s3 =	simm.s32 $0x108;
	s8 =	sld [smem:$0x3FB5]  }
0x2e: {  	s3 =	simm.s32 @!p0 $0x1082;
	s9 =	sld [smem:$0x3FB6]  }
0x2f: {  	lr =	sadd.s32 s0, s3;
	s0 =	sld [smem:$0x3FAD]  }
0x30: {  	s3 =	sld [smem:$0x3FB0]  }
0x31: {  	[smem:$0x3FB9] =	sst s10  }
0x32: {  	s10 =	sld [smem:$0x3FB7];
	_ =	sdelay $0x3  }
0x33: {  	p0 =	seq.s32 s10, $0x1;
	s10 =	sld [smem:$0x3FB9];
	_ =	sdelay $0x3  }
0x34: {  	[smem:$0x3FB9] =	sst s10  }
0x35: {  	s10 =	sld [smem:$0x3FB8];
	_ =	sdelay $0x3  }
0x36: {  	p1 =	seq.s32 s10, $0x1;
	s10 =	sld [smem:$0x3FB9];
	_ =	sdelay $0x3  }
0x37: {  	[smem:$0x3FB9] =	sst s10  }
0x38: {  	s10 =	sld [smem:$0x3FBA]  }
0x39: {  	_ = 	snop;
	(pc) =	sbr.ind lr, $3  }
0x3a: {  	_ = 	snop  }
0x3b: {  	_ = 	snop  }
0x3c: {  	p2 =	seq.s32 s10, $0x1;
	s10 =	sld [smem:$0x3FB9]  }
0x3d: {  	_ =	shalt  }
0x3e: {  	_ =	shalt  }
0x3f: {  	_ =	shalt  }
0x40: {  	_ =	shalt  }
0x41: {  	_ =	shalt  }
0x42: {  	_ =	shalt  }
0x43: {  	_ =	shalt  }
0x44: {  	_ =	shalt  }
0x45: {  	_ =	shalt  }
0x46: {  	_ =	shalt  }
0x47: {  	_ =	shalt  }
0x48: {  	_ =	shalt  }
0x49: {  	_ =	shalt  }
0x4a: {  	_ =	shalt  }
0x4b: {  	_ =	shalt  }
0x4c: {  	_ =	shalt  }
0x4d: {  	_ =	shalt  }
0x4e: {  	_ =	shalt  }
0x4f: {  	_ =	shalt  }
0x50: {  	_ =	shalt  }
0x51: {  	_ =	shalt  }
0x52: {  	_ =	shalt  }
0x53: {  	_ =	shalt  }
0x54: {  	_ =	shalt  }
0x55: {  	_ =	shalt  }
0x56: {  	_ =	shalt  }
0x57: {  	_ =	shalt  }
0x58: {  	_ =	shalt  }
0x59: {  	_ =	shalt  }
0x5a: {  	_ =	shalt  }
0x5b: {  	_ =	shalt  }
0x5c: {  	_ =	shalt  }
0x5d: {  	_ =	shalt  }
0x5e: {  	_ =	shalt  }
0x5f: {  	_ =	shalt  }
0x60: {  	_ =	shalt  }
0x61: {  	_ =	shalt  }
0x62: {  	_ =	shalt  }
0x63: {  	_ =	shalt  }
0x64: {  	_ =	shalt  }
0x65: {  	_ =	shalt  }
0x66: {  	_ =	shalt  }
0x67: {  	_ =	shalt  }
0x68: {  	_ =	shalt  }
0x69: {  	_ =	shalt  }
0x6a: {  	_ =	shalt  }
0x6b: {  	_ =	shalt  }
0x6c: {  	_ =	shalt  }
0x6d: {  	_ =	shalt  }
0x6e: {  	_ =	shalt  }
0x6f: {  	_ =	shalt  }
0x70: {  	_ =	shalt  }
0x71: {  	_ =	shalt  }
0x72: {  	_ =	shalt  }
0x73: {  	_ =	shalt  }
0x74: {  	_ =	shalt  }
0x75: {  	_ =	shalt  }
0x76: {  	_ =	shalt  }
0x77: {  	_ =	shalt  }
0x78: {  	_ =	shalt  }
0x79: {  	_ =	shalt  }
0x7a: {  	_ =	shalt  }
0x7b: {  	_ =	shalt  }
0x7c: {  	_ =	shalt  }
0x7d: {  	_ =	shalt  }
0x7e: {  	_ =	shalt  }
0x7f: {  	_ =	shalt  }
0x80: {  	_ =	shalt  }
0x81: {  	_ =	shalt  }
0x82: {  	_ =	shalt  }
0x83: {  	_ =	shalt  }
0x84: {  	_ =	shalt  }
0x85: {  	_ =	shalt  }
0x86: {  	_ =	shalt  }
0x87: {  	_ =	shalt  }
.Lfunc_end0:
.L_simem_size_0:
called_computation_lowered:
.L_overlay_start_0:
0x88: {  	s2 =	sld [smem:$0x3FD9]  }
0x89: {  	s3 =	sld [smem:$0x3FFE];
	_ =	sdelay $0x1  }
0x8a: {  	s1 =	srdreg.scid  }
0x8b: {  	s0 =	sand.u32 $0x1, s1  }
0x8c: {  	s16 =	sshll.u32 s0, $0xA;
	s2 =	sadd.s32 s3, s2  }
0x8d: {  	s2 =	sadd.s32 s2, s16  }
0x8e: {  	[smem:$0x3FC5] =	sst s2  }
0x8f: {  	_ = 	snop  }
0x90: {  	(tm) =	ssettm $0x1  }
0x91: {  	s17 =	sld [smem:$0x3FFB];
	_ =	sdelay $0x3  }
0x92: {  	_ =	strace s17  }
0x93: {  	s2 =	sld [smem:$0x3FFC];
	_ =	sdelay $0x3  }
0x94: {  	_ =	strace s2  }
0x95: {  	s2 =	sld [smem:$0x3FFD];
	_ =	sdelay $0x3  }
0x96: {  	_ =	strace s2  }
0x97: {  	_ =	strace $0x8FFFFFFF  }
0x98: {  	s18 =	sld [smem:$0x3FDB];
	_ =	sdelay $0x1  }
0x99: {  	s19 =	simm.s32 $_scs_section_size  }
0x9a: {  	s4 =	simm.s32 $_size__tile_overlayer_lowered;
	s5 =	simm.s32 $_tile_overlayer_lowered  }
0x9b: {  	s22 =	simm.s32 $0x1BFF;
	s21 =	sshll.u32 s5, $0x1;
	s2 =	sadd.s32 s19, s18  }
0x9c: {  	s6 =	simm.s32 $0x0;
	s20 =	sshll.u32 s4, $0x1;
	s4 =	sadd.s32 s21, s2  }
0x9d: {  	[timem:s6], [sflag:s22] =	dma.local [hbm:s4], s20  }
0x9e: {  	_ =	swait.ge [sflag:s22], s20  }
0x9f: {  	s3 =	ssub.s32 $0x0, s20;
	[sflag:s22] =	ssyncset.done $0x0  }
0xa0: {  	[sflag:s22] =	ssyncadd.s32 s3;
	_ =	sdelay $0x1  }
0xa1: {  	s23 =	simm.s32 $0x1B8B  }
0xa2: {  	_ =	swait.ge [sflag:s23], $0x1  }
0xa3: {  	[sflag:s23] =	ssyncset.done $0x0  }
0xa4: {  	s25 =	simm.s32 $0x1B8E;
	s24 =	sld [smem:$0x3FFE];
	[sflag:s23] =	ssyncadd.s32 $0xFFFFFFFF  }
0xa5: {  	s26 =	simm.s32 $execute0_lowered;
	[smem:$0x3FD2] =	sst s25  }
0xa6: {  	s4 =	sshll.u32 s26, $0x1;
	_ =	strace $0x80000046;
	[dreg:$0x1] =	wrdreg $0xFFFFFFFF  }
0xa7: {  	s28 =	simm.s32 $_size_execute0_lowered;
	s2 =	sadd.s32 s2, s4;
	[dreg:$0x0] =	wrdreg $0x0  }
0xa8: {  	s4 =	sshll.u32 s28, $0x1;
	[dreg:$0x2] =	wrdreg s2  }
0xa9: {  	[dreg:$0x3] =	wrdreg s4  }
0xaa: {  	[dreg:$0x4] =	wrdreg $0xC0  }
0xab: {  	_ =	task [dreg:s6], $0x5FFFF  }
0xac: {  	[dreg:$0x1] =	wrdreg $0xFFFFFFFF  }
0xad: {  	[dreg:$0x0] =	wrdreg $0x60  }
0xae: {  	[dreg:$0x2] =	wrdreg s24  }
0xaf: {  	[dreg:$0x3] =	wrdreg $0x9  }
0xb0: {  	_ =	task.clear_ibuf [dreg:s6], $0x4FFFF;
	_ =	strace $0x90000046  }
0xb1: {  	s29 =	simm.s32 $0x9;
	_ =	strace $0x80000048  }
0xb2: {  	_ =	swait.ge [sflag:s29], $0x1  }
0xb3: {  	[sflag:s29] =	ssyncadd.s32 $0xFFFFFFFF  }
0xb4: {  	_ =	strace $0x90000048  }
0xb5: {  	_ =	sfence  }
0xb6: {  	s30 =	sld [smem:$0x0];
	_ =	sdelay $0x2  }
0xb7: {  	s31 =	sshll.u32 s1, $0xD;
	s1 =	sshrl.u32 s1, $0x2  }
0xb8: {  	s3 =	sand.u32 $0x4000, s31;
	s1 =	sadd.s32 s1, s30  }
0xb9: {  	s0 =	sor.u32 s3, s0;
	s1 =	sshll.u32 s1, $0x11  }
0xba: {  	s0 =	sor.u32 s1, s0  }
0xbb: {  	s0 =	sadd.s32 $0x8F2B, s0  }
0xbc: {  	[sflag:s0] =	ssyncadd.remote.s32 $0x1  }
0xbd: {  	_ =	sfence.sel $0xFFFF  }
0xbe: {  	[dreg:$0x0] =	wrdreg $0xFFFFFFFF;
	(pc) =	sbr.abs _section_cstart, $3  }
0xbf: {  	[dreg:$0x1] =	wrdreg $0xFFFFFFFF  }
0xc0: {  	_ =	task.clear_ibuf [dreg:s6], $0x2FFFF;
	_ =	strace $0x9FFFFFFF  }
0xc1: {  	(tm) =	ssettm $0x7FFFFFFF  }
tec
execute0_lowered:
.L_overlay_start_1:
0x0: {  	(tag) =	ssettag $0x1  }
0x1: {  	s6 =	rddreg [dreg:$0x0];
	s1 =	simm.s32 $0x0  }
0x2: {  	[smem:$0x7FF] =	sst s1  }
0x3: {  	s0 =	rddreg [dreg:$0x1];
	v0 =	vimm.f32 $1.400000000e+01;
	_ =	strace $0x80000047  }
0x4: {  	(erf) = vrcp.f32 v0;
	_ =	sdelay $0x2  }
0x5: {  	s2 =	srdreg.scid  }
0x6: {  	s11 =	simm.s32 $0x2700;
	s12 =	simm.s32 $0x2220;
	s13 =	simm.s32 $0x0  }
0x7: {  	s3 =	sadd.s32 $0xC00, s6;
	s4 =	sadd.s32 $0xF000, s6;
	s7 =	sand.u32 $0x1, s2  }
0x8: {  	s5 =	sadd.s32 $0x11E00, s6;
	s2 =	stileid.u32;
	s8 =	ssub.s32 $0x2, s7  }
0x9: {  	v1 =	vimm.f32 $0.0e+00;
	v2 =	vimm.f32 $1.000000000e+00;
	s10 =	sshll.u32 s2, $0x2;
	s7 =	sshll.u32 s7, $0x1;
	s9 =	sshrl.u32 s8, $0x1  }
0xa: {  	v3 =	vimm.f32 $8.263671400e-02;
	v4 =	vimm.f32 $1.082226560e-01;
	v6 =	vimm.s32 $0x0;
	s6 =	sadd.s32 $0x1DE00, s6;
	s7 =	sor.u32 s7, s10;
	s8 =	ssub.s32 s8, s9  }
0xb: {  	vm0 =	vcmask $0x704;
	vm1 =	vcmask $0x3F04;
	v0 =	vlaneseq.u32;
	s10 =	simm.s32 $0x1C70;
	s9 =	simm.s32 $0x1;
	s8 =	smax.u32 s8, $0x1;
	v5 =	vpop (erf)  }
.LBB2_1:
0xc: {  	p1 =	por $0x1, $0x1;
	s15 =	simm.s32 $0x0  }
.LBB2_2:
0xd: {  	s14 =	sor.u32 s7, s15  }
0xe: {  	s15 =	smul.u32 $0x38E, s14;
	_ =	sdelay $0x1  }
0xf: {  	s15 =	sadd.s32 s3, s15  }
0x10: {  	[tilespmem:s1], [sflag:$0x1] =	stream.linear.gather [hbm4b:s15+s1], $0x1C70, $0x38;
	[tilespmem:$0x3F00] =	vst v63  }
0x11: {  	s31 =	smul.u32 $0xB6, s14;
	_ =	swait.ge [sflag:s9], $0x1C70  }
0x12: {  	[sflag:s9] =	ssyncset.done $0x0  }
0x13: {  	s15 =	sadd.s32 s4, s31;
	[sflag:s9] =	ssyncadd.s32 $0xFFFFE390  }
0x14: {  	[tilespmem:s10], [sflag:$0x1] =	stream.linear.gather [hbm4b:s15+s1], $0x5B0, $0x38;
	[tilespmem:$0x3F00] =	vst v63  }
0x15: {  	_ =	swait.ge [sflag:s9], $0x5B0  }
0x16: {  	[sflag:s9] =	ssyncset.done $0x0  }
0x17: {  	v7 =	vimm.f32 $0.0e+00;
	s15 =	simm.s32 $0xFFFFFC00;
	[sflag:s9] =	ssyncadd.s32 $0xFFFFFA50  }
0x18: {  	[tilespmem:s15+$0x3F00] =	vst v7  }
0x19: {  	[tilespmem:s15+$0x2B00] =	vst v7  }
0x1a: {  	[tilespmem:s15+$0x2F00] =	vst v7  }
0x1b: {  	[tilespmem:s15+$0x3300] =	vst v7  }
0x1c: {  	p0 =	por p1, p1;
	s16 =	simm.s32 $0xFFFFF040;
	[tilespmem:s15+$0x3700] =	vst v7  }
.LBB2_3:
0x1d: {  	p1 =	sne.s32 s16, $0xFFFFFFC0;
	[tilespmem:s15+$0x3B00] =	vst v7;
	s15 =	sshra.s32 s16, $0x2;
	s16 =	sadd.s32 $0x40, s16  }
.Ltmp0:
0x1e: {  	[tilespmem:s15+$0x3F00] =	vst v7;
	(pc) =	sbr.rel @p1 .LBB2_3-.Ltmp0, $4  }
0x1f: {  	[tilespmem:s15+$0x2B00] =	vst v7  }
0x20: {  	[tilespmem:s15+$0x2F00] =	vst v7  }
0x21: {  	[tilespmem:s15+$0x3300] =	vst v7  }
0x22: {  	[tilespmem:s15+$0x3700] =	vst v7  }
0x23: {  	[tilespmem:s15+$0x3B00] =	vst v7;
	s15 =	simm.s32 $0x1EE0  }
0x24: {  	v11 =	vld [tilespmem:s15+$0x1A0]  }
0x25: {  	v8 =	vld [tilespmem:s15+$0x270];
	_ =	sdelay $0x3  }
0x26: {  	v9 =	vmin.f32 v11, $1.995507630e-01;
	v10 =	vmin.f32 v11, $5.919530990e-01;
	v12 =	vmin.f32 v11, $8.263671400e-02  }
0x27: {  	v14 =	vmin.f32 v8, $1.082226560e-01;
	v15 =	vmin.f32 v8, $2.505859430e-01;
	v13 =	vmul.f32 v8, v11  }
0x28: {  	v16 =	vmin.f32 v8, $3.025390510e-01;
	v17 =	vmin.f32 v11, $3.159960810e-01;
	v9 =	vmul.f32 v15, v9  }
0x29: {  	v15 =	vmin.f32 v8, $5.061914320e-01;
	v12 =	vmul.f32 v14, v12;
	v14 =	vadd.f32 $8.943164720e-03, v13  }
0x2a: {  	v18 =	vadd.f32 $5.000461640e-02, v13;
	v17 =	vmul.f32 v15, v17;
	v15 =	vadd.f32 $1.599545030e-01, v13  }
0x2b: {  	v10 =	vmul.f32 v16, v10;
	v16 =	vadd.f32 $1.790889350e-01, v13;
	v14 =	vsub.f32 v14, v12  }
0x2c: {  	v19 =	vmin.f32 v11, $7.022656200e-01;
	v20 =	vmin.f32 v8, $6.254491810e-01;
	v18 =	vsub.f32 v18, v9  }
0x2d: {  	v15 =	vsub.f32 v15, v17;
	v16 =	vsub.f32 v16, v10;
	(erf) = vrcp.f32 v14  }
0x2e: {  	v14 =	vmul.f32 v20, v19;
	v19 =	vadd.f32 $4.392314550e-01, v13;
	(erf) = vrcp.f32 v18  }
0x2f: {  	(erf) = vrcp.f32 v15  }
0x30: {  	s16 =	simm.s32 $0x0;
	v15 =	vsub.f32 v19, v14;
	(erf) = vrcp.f32 v16  }
0x31: {  	v16 =	vor.u32 s16, v0  }
0x32: {  	(erf) = vrcp.f32 v15;
	v15 =	vshrl.u32 v16, $0x1  }
0x33: {  	v18 =	vld [tilespmem:s15+$0xD0];
	v15 =	vmulhi.u32 $0x92492493, v15;
	_ =	sdelay $0x1  }
0x34: {  	v15 =	vshrl.u32 v15, $0x2  }
0x35: {  	v22 =	vmul.f32 $5.000000000e-01, v8;
	v20 =	vmul.u32 $0xFFFFFFF2, v15;
	v15 =	vcvt.s32.f32 v15;
	v21 =	vpop (erf)  }
0x36: {  	v19 =	vmul.f32 $-6.000000240e-01, v13;
	v12 =	vmul.f32 v21, v12;
	v55 =	vpop (erf)  }
0x37: {  	v16 =	vadd.s32 v16, v20;
	v20 =	vld [tilespmem:s15+$0x0];
	v15 =	vadd.f32 v15, v18;
	v9 =	vmul.f32 v55, v9;
	v18 =	vpop (erf)  }
0x38: {  	v16 =	vcvt.s32.f32 v16;
	v12 =	vmax.f32 v12, $0.0e+00;
	v17 =	vmul.f32 v18, v17;
	v18 =	vpop (erf)  }
0x39: {  	v56 =	vtrunc.f32 v15;
	vm2 =	vgt.f32 v12, $-1.000000000e+00;
	v10 =	vmul.f32 v18, v10  }
0x3a: {  	v18 =	vpop (erf);
	v21 =	vcvt.f32.s32 v56;
	v9 =	vmax.f32 v9, $0.0e+00;
	v12 =	vnsel vm2, $0xBF800000, v12  }
0x3b: {  	v17 =	vmax.f32 v17, $0.0e+00;
	v14 =	vmul.f32 v18, v14;
	vm3 =	vgt.f32 v9, v12  }
0x3c: {  	v16 =	vadd.f32 v16, v20;
	vm2 =	vlt.s32 v21, $0xD;
	v9 =	vsel vm3, v9, v12  }
0x3d: {  	v10 =	vmax.f32 v10, $0.0e+00;
	v18 =	vnsel vm2, $0xD, v21;
	vm4 =	vgt.f32 v17, v9  }
0x3e: {  	v12 =	vtrunc.f32 v16;
	v9 =	vsel vm4, v17, v9;
	v17 =	vmul.u32 $0xE, v18  }
0x3f: {  	v20 =	vld [tilespmem:s15+$0xFFFFFD90];
	v23 =	vcvt.f32.s32 v12;
	v12 =	vsel vm3, $0x1, v6;
	vm5 =	vgt.f32 v10, v9  }
0x40: {  	v12 =	vsel vm4, $0x2, v12;
	v9 =	vsel vm5, v10, v9;
	v10 =	vmax.f32 v14, $0.0e+00  }
0x41: {  	v12 =	vsel vm5, $0x3, v12;
	vm2 =	vlt.s32 v23, $0xD;
	vm6 =	vgt.f32 v10, v9  }
0x42: {  	v9 =	vmul.f32 $5.000000000e-01, v11;
	v25 =	vnsel vm2, $0xD, v23;
	v24 =	vsel vm6, $0x4, v12  }
0x43: {  	v17 =	vadd.s32 v25, v17;
	v12 =	vmul.f32 v16, v5;
	v10 =	vmul.u32 $0x5B0, v24  }
0x44: {  	vm7 =	vlt.f32 v20, $0.0e+00;
	vm2 =	vgt.f32 v20, $0.0e+00;
	v20 =	vand.u32 $0xFFFFFFF8, v17  }
0x45: {  	v26 =	vand.u32 $0x7, v17;
	v27 =	vadd.f32 v9, v12;
	v10 =	vadd.s32 v20, v10  }
0x46: {  	s16 =	simm.s32 $0x23C0;
	v28 =	vmul.f32 v15, v5;
	v29 =	vsub.f32 v12, v9;
	v14 =	vor.u32 v26, v10  }
0x47: {  	vm2 =	vmor vm2, vm7;
	[tilespmem:s16+$0xFFFFFF30] =	vst v27;
	v9 =	vadd.s32 $0x270, v14  }
0x48: {  	v10 =	vnsel vm2, $0xFF61B1E6, v19;
	v19 =	vsub.f32 v28, v22;
	[tilespmem:s16+$0xFFFFFE60] =	vst v29;
	v12 =	vadd.s32 $0x340, v14  }
0x49: {  	v22 =	vadd.f32 v22, v28;
	[tilespmem:s16+$0x1A0] =	vst v10  }
0x4a: {  	[tilespmem:s16+$0x0] =	vst v19  }
0x4b: {  	[tilespmem:s16+$0xD0] =	vst v22  }
0x4c: {  	v9 =	vld.idx.msk [tilespmem:v9+s1+$0x0], $0xffff  }
0x4d: {  	v57 =	vadd.s32 $0x410, v14;
	v10 =	vld.idx.msk [tilespmem:v12+s1+$0x0], $0xffff  }
0x4e: {  	v12 =	vsel vm3, $0x3E4C5709, v3  }
0x4f: {  	v12 =	vsel vm4, $0x3EA1CA3D, v12  }
0x50: {  	v31 =	vsel vm3, $0x3E804CCD, v4;
	v30 =	vadd.s32 $0x4E0, v14;
	v12 =	vsel vm5, $0x3F178A3D, v12  }
0x51: {  	v31 =	vsel vm4, $0x3F0195C3, v31;
	v32 =	vsel vm6, $0x3F33C7AE, v12;
	v9 =	vsub.f32 $0.0e+00, v9  }
0x52: {  	v12 =	vsel vm5, $0x3E9AE666, v31;
	(erf) = vrcp.f32 v32;
	v58 =	vsub.f32 $0.0e+00, v10;
	v10 =	vld.idx.msk [tilespmem:v57+s1+$0x0], $0xffff  }
0x53: {  	v33 =	vsel vm6, $0x3F201D70, v12;
	v12 =	vmul.f32 $1.442695020e+00, v9  }
0x54: {  	(erf) = vrcp.f32 v33;
	v59 =	vmul.f32 $1.442695020e+00, v58  }
0x55: {  	v9 =	vld.idx.msk [tilespmem:v30+s1+$0x0], $0xffff;
	(erf) = vpow2.f32 v12  }
0x56: {  	(erf) = vpow2.f32 v59  }
0x57: {  	v12 =	vmul.f32 $1.442695020e+00, v10;
	_ =	sdelay $0x2  }
0x58: {  	v60 =	vmul.f32 $1.442695020e+00, v9  }
0x59: {  	(erf) = vpow2.f32 v12;
	v12 =	vpop (erf)  }
0x5a: {  	(erf) = vpow2.f32 v60;
	v28 =	vmul.f32 v12, v11  }
0x5b: {  	v11 =	vpop (erf)  }
0x5c: {  	v12 =	vmul.f32 v11, v8;
	v61 =	vand.u32 $0x7FFFFF, v28;
	v8 =	vpop (erf)  }
0x5d: {  	v30 =	vor.u32 $0x3F800000, v61;
	v8 =	vadd.f32 $1.000000000e+00, v8;
	v11 =	vpop (erf)  }
0x5e: {  	v34 =	vand.u32 $0x7FFFFF, v12;
	v62 =	vadd.f32 $1.000000000e+00, v30;
	v11 =	vadd.f32 $1.000000000e+00, v11  }
0x5f: {  	v34 =	vor.u32 $0x3F800000, v34;
	(erf) = vrcp.f32 v8  }
0x60: {  	v40 =	vcvt.s32.f32 v21;
	v8 =	vadd.f32 $1.000000000e+00, v34;
	(erf) = vrcp.f32 v62  }
0x61: {  	v18 =	vcvt.s32.f32 v18;
	(erf) = vrcp.f32 v11  }
0x62: {  	v15 =	vsub.f32 v15, v40;
	v25 =	vcvt.s32.f32 v25;
	v11 =	vpop (erf);
	(erf) = vrcp.f32 v8  }
0x63: {  	v35 =	vsel vm2, $0x3F800000, v1;
	v20 =	vor.u32 v26, v20;
	v63 =	vadd.s32 $0x1A0, v14;
	v41 =	vpop (erf)  }
0x64: {  	v8 =	vmul.u32 $0xC4, v24;
	v32 =	vmul.f32 v32, v11;
	v24 =	vmul.f32 v33, v41  }
0x65: {  	vm3 =	vlt.s32 v23, $0xE;
	v23 =	vcvt.s32.f32 v23;
	vm4 =	vlt.s32 v21, $0xE  }
0x66: {  	v53 =	vadd.s32 $0xD0, v14;
	vm3 =	vmand vm3, vm4;
	v43 =	vmul.f32 v24, v32  }
0x67: {  	v16 =	vsub.f32 v16, v23;
	vm3 =	vmand vm2, vm3;
	v11 =	vadd.s32 v8, v17  }
0x68: {  	v8 =	vmax.f32 v7, v35;
	v35 =	vadd.f32 v43, v13;
	v13 =	vadd.f32 $-1.000000000e+00, v30;
	v44 =	vpop (erf)  }
0x69: {  	v42 =	vshrl.u32 v12, $0x17;
	v32 =	vmul.f32 $5.000000000e-01, v32;
	v25 =	vadd.f32 v25, v44;
	v45 =	vpop (erf)  }
0x6a: {  	v24 =	vmul.f32 $5.000000000e-01, v24;
	v46 =	vmul.f32 v45, v13;
	v13 =	vadd.f32 $-1.000000000e+00, v34;
	v47 =	vpop (erf)  }
0x6b: {  	v21 =	vsub.f32 v44, v16;
	v25 =	vmul.f32 v25, v5;
	v18 =	vadd.f32 v18, v47;
	v48 =	vpop (erf)  }
0x6c: {  	v49 =	vmul.f32 v46, v46;
	v34 =	vmul.f32 v48, v13;
	v13 =	vadd.s32 $0xD0, v20  }
0x6d: {  	v20 =	vadd.s32 $0x1A0, v20;
	v18 =	vmul.f32 v18, v5;
	v36 =	vsub.f32 v25, v32  }
0x6e: {  	v25 =	vadd.f32 v32, v25;
	v37 =	vmul.f32 $1.111111120e-01, v49;
	v38 =	vmul.f32 v34, v34  }
0x6f: {  	v50 =	vsub.f32 v18, v24;
	v18 =	vadd.f32 v24, v18;
	v29 =	vmax.f32 v36, v29  }
0x70: {  	v25 =	vmin.f32 v25, v27;
	v51 =	vadd.f32 $1.428571490e-01, v37;
	v52 =	vmul.f32 $1.111111120e-01, v38  }
0x71: {  	v56 =	vsub.f32 v25, v29;
	v19 =	vmax.f32 v50, v19;
	v18 =	vmin.f32 v18, v22  }
0x72: {  	v24 =	vmul.f32 v51, v49;
	v37 =	vadd.f32 $1.428571490e-01, v52;
	v18 =	vsub.f32 v18, v19  }
0x73: {  	v31 =	vld.idx.msk [tilespmem:v63+s1+$0x0], $0xffff;
	v16 =	vmul.f32 v15, v16;
	v58 =	vsub.f32 v47, v15;
	v15 =	vmax.f32 v56, $0.0e+00  }
0x74: {  	v20 =	vld.idx.msk [tilespmem:v20+s10+$0x0], $0xffff;
	v24 =	vadd.f32 $2.000000030e-01, v24;
	v37 =	vmul.f32 v37, v38;
	v18 =	vmax.f32 v18, $0.0e+00  }
0x75: {  	v17 =	vshrl.u32 v28, $0x17;
	v33 =	vand.u32 $0xFF, v42;
	v39 =	vld.idx.msk [tilespmem:v13+s10+$0x0], $0xffff;
	v15 =	vmul.f32 v18, v15  }
0x76: {  	v13 =	vsub.f32 $2.000000000e+00, v16;
	v16 =	vld.idx.msk [tilespmem:v53+s1+$0x0], $0xffff;
	v24 =	vmul.f32 v24, v49;
	v55 =	vadd.f32 $2.000000030e-01, v37  }
0x77: {  	v17 =	vand.u32 $0xFF, v17;
	v33 =	vadd.s32 $0xFFFFFF81, v33;
	v60 =	vsub.f32 v35, v15  }
0x78: {  	v17 =	vadd.s32 $0xFFFFFF81, v17;
	v19 =	vadd.f32 $3.333333430e-01, v24;
	v57 =	vmul.f32 v55, v38  }
0x79: {  	v54 =	vadd.s32 $0x400, v11;
	v17 =	vcvt.s32.f32 v17;
	(erf) = vrcp.f32 v60  }
0x7a: {  	v33 =	vcvt.s32.f32 v33;
	v19 =	vmul.f32 v19, v49;
	v59 =	vadd.f32 $3.333333430e-01, v57  }
0x7b: {  	v17 =	vmul.f32 $6.931471820e-01, v17;
	v18 =	vsub.f32 v31, v20;
	v16 =	vsub.f32 v16, v39  }
0x7c: {  	v20 =	vadd.f32 v46, v46;
	v19 =	vadd.f32 $1.000000000e+00, v19;
	v22 =	vmul.f32 v59, v38  }
0x7d: {  	v62 =	vadd.f32 v34, v34;
	v18 =	vmul.f32 v18, v18;
	v16 =	vmul.f32 v16, v16  }
0x7e: {  	v21 =	vmul.f32 v21, v13;
	v19 =	vmul.f32 v19, v20;
	v20 =	vadd.f32 $1.000000000e+00, v22  }
0x7f: {  	v14 =	vld.idx.msk [tilespmem:v14+s1+$0x0], $0xffff;
	v61 =	vmul.f32 v58, v13;
	v63 =	vadd.f32 v18, v16  }
0x80: {  	[tilespmem:v11+s11+$0x0] =	vst.idx.add.f32.msk vm3, v21;
	v16 =	vadd.f32 v19, v17;
	v17 =	vmul.f32 $6.931471820e-01, v33;
	v18 =	vmul.f32 v20, v62  }
0x81: {  	s17 =	simm.s32 $0x10;
	vm4 =	vgt.f32 v28, $0.0e+00;
	[tilespmem:v54+s11+$0x0] =	vst.idx.add.f32.msk vm3, v61;
	v19 =	vnsel vm2, $0x0, v63  }
.LBB2_5:
0x82: {  	p1 =	sne.s32 s17, $0xC0;
	v17 =	vadd.f32 v18, v17;
	v18 =	vadd.s32 $0x800, v11;
	v7 =	vadd.f32 v19, v7;
	s16 =	sadd.s32 $0x10, s16;
	s15 =	sadd.s32 $0x10, s15;
	v19 =	vpop (erf)  }
0x83: {  	v16 =	vnsel vm4, $0xFF800000, v16;
	vm2 =	vgt.f32 v12, $0.0e+00;
	s18 =	smov.u32 s17;
	s17 =	sadd.s32 $0x10, s17;
	v12 =	vmul.f32 v19, v15  }
0x84: {  	v10 =	vsub.f32 v10, v16;
	v16 =	vadd.s32 $0xC00, v11;
	v15 =	vnsel vm2, $0xFF800000, v17  }
0x85: {  	v12 =	vmax.f32 v12, $0.0e+00;
	v9 =	vsub.f32 v9, v15;
	v15 =	vadd.s32 $0x1000, v11  }
0x86: {  	v10 =	vmul.f32 v10, v13;
	v11 =	vadd.s32 $0x1400, v11;
	v12 =	vsub.f32 v14, v12  }
0x87: {  	v9 =	vmul.f32 v9, v13  }
0x88: {  	v12 =	vmul.f32 $5.000000000e+00, v12;
	[tilespmem:v18+s11+$0x0] =	vst.idx.add.f32.msk vm3, v10  }
0x89: {  	[tilespmem:v16+s11+$0x0] =	vst.idx.add.f32.msk vm3, v9  }
0x8a: {  	[tilespmem:v15+s11+$0x0] =	vst.idx.add.f32.msk vm3, v12  }
0x8b: {  	[tilespmem:v11+s11+$0x0] =	vst.idx.add.f32.msk vm3, v2  }
0x8c: {  	v14 =	vld [tilespmem:s15+$0x1A0]  }
0x8d: {  	v12 =	vld [tilespmem:s15+$0x270];
	_ =	sdelay $0x3  }
0x8e: {  	v9 =	vmin.f32 v14, $1.995507630e-01;
	v10 =	vmin.f32 v14, $5.919530990e-01  }
0x8f: {  	v11 =	vmin.f32 v14, $8.263671400e-02;
	v15 =	vmin.f32 v12, $1.082226560e-01;
	v13 =	vmin.f32 v12, $2.505859430e-01  }
0x90: {  	v16 =	vmin.f32 v12, $5.061914320e-01;
	v17 =	vmin.f32 v12, $3.025390510e-01;
	v9 =	vmul.f32 v13, v9  }
0x91: {  	v18 =	vmin.f32 v14, $7.022656200e-01;
	v13 =	vmul.f32 v12, v14  }
0x92: {  	v19 =	vmin.f32 v14, $3.159960810e-01;
	v10 =	vmul.f32 v17, v10  }
0x93: {  	v11 =	vmul.f32 v15, v11;
	v15 =	vadd.f32 $8.943164720e-03, v13;
	v17 =	vadd.f32 $5.000461640e-02, v13  }
0x94: {  	v16 =	vmul.f32 v16, v19;
	v19 =	vadd.f32 $1.599545030e-01, v13;
	v20 =	vadd.f32 $1.790889350e-01, v13  }
0x95: {  	v22 =	vmul.f32 $-6.000000240e-01, v13;
	v15 =	vsub.f32 v15, v11;
	v17 =	vsub.f32 v17, v9  }
0x96: {  	v21 =	vmin.f32 v12, $6.254491810e-01;
	v19 =	vsub.f32 v19, v16;
	v20 =	vsub.f32 v20, v10  }
0x97: {  	v21 =	vmul.f32 v21, v18;
	v18 =	vadd.f32 $4.392314550e-01, v13;
	(erf) = vrcp.f32 v15  }
0x98: {  	(erf) = vrcp.f32 v17  }
0x99: {  	v15 =	vsub.f32 v18, v21;
	(erf) = vrcp.f32 v19  }
0x9a: {  	(erf) = vrcp.f32 v20  }
0x9b: {  	v17 =	vor.u32 s18, v0;
	(erf) = vrcp.f32 v15  }
0x9c: {  	v15 =	vshrl.u32 v17, $0x1  }
0x9d: {  	v15 =	vmulhi.u32 $0x92492493, v15;
	v18 =	vld [tilespmem:s15+$0xD0];
	_ =	sdelay $0x1  }
0x9e: {  	v15 =	vshrl.u32 v15, $0x2  }
0x9f: {  	v24 =	vmul.f32 $5.000000000e-01, v12;
	v19 =	vmul.u32 $0xFFFFFFF2, v15;
	v15 =	vcvt.s32.f32 v15;
	v20 =	vpop (erf)  }
0xa0: {  	v27 =	vmul.f32 $5.000000000e-01, v14;
	v11 =	vmul.f32 v20, v11;
	v20 =	vpop (erf)  }
0xa1: {  	v17 =	vadd.s32 v17, v19;
	v19 =	vld [tilespmem:s15+$0x0];
	v15 =	vadd.f32 v15, v18;
	v9 =	vmul.f32 v20, v9;
	v18 =	vpop (erf)  }
0xa2: {  	v17 =	vcvt.s32.f32 v17;
	v11 =	vmax.f32 v11, $0.0e+00;
	v16 =	vmul.f32 v18, v16;
	v18 =	vpop (erf)  }
0xa3: {  	v20 =	vtrunc.f32 v15;
	vm2 =	vgt.f32 v11, $-1.000000000e+00;
	v10 =	vmul.f32 v18, v10;
	v23 =	vpop (erf)  }
0xa4: {  	v9 =	vmax.f32 v9, $0.0e+00;
	v18 =	vcvt.f32.s32 v20;
	v11 =	vnsel vm2, $0xBF800000, v11  }
0xa5: {  	v20 =	vmax.f32 v16, $0.0e+00;
	v21 =	vmul.f32 v23, v21;
	vm4 =	vgt.f32 v9, v11  }
0xa6: {  	v16 =	vadd.f32 v17, v19;
	v9 =	vsel vm4, v9, v11;
	vm2 =	vlt.s32 v18, $0xD  }
0xa7: {  	v10 =	vmax.f32 v10, $0.0e+00;
	v11 =	vld [tilespmem:s15+$0xFFFFFD90];
	vm5 =	vgt.f32 v20, v9;
	v23 =	vnsel vm2, $0xD, v18  }
0xa8: {  	v17 =	vtrunc.f32 v16;
	v9 =	vsel vm5, v20, v9;
	v19 =	vmul.u32 $0xE, v23  }
0xa9: {  	v25 =	vcvt.f32.s32 v17;
	v17 =	vsel vm4, $0x1, v6;
	vm6 =	vgt.f32 v10, v9  }
0xaa: {  	v17 =	vsel vm5, $0x2, v17;
	v9 =	vsel vm6, v10, v9;
	v10 =	vmax.f32 v21, $0.0e+00  }
0xab: {  	v17 =	vsel vm6, $0x3, v17;
	vm7 =	vgt.f32 v10, v9;
	vm2 =	vlt.s32 v25, $0xD  }
0xac: {  	vm3 =	vgt.f32 v11, $0.0e+00;
	v9 =	vsel vm7, $0x4, v17;
	v26 =	vnsel vm2, $0xD, v25  }
0xad: {  	vm2 =	vlt.f32 v11, $0.0e+00;
	v10 =	vadd.s32 v26, v19;
	v11 =	vmul.u32 $0x5B0, v9  }
0xae: {  	v17 =	vmul.f32 v16, v5;
	vm2 =	vmor vm3, vm2;
	v28 =	vand.u32 $0xFFFFFFF8, v10  }
0xaf: {  	v29 =	vmul.f32 v15, v5;
	v30 =	vand.u32 $0x7, v10;
	v11 =	vadd.s32 v28, v11  }
0xb0: {  	v20 =	vsub.f32 v17, v27;
	v17 =	vadd.f32 v27, v17;
	v21 =	vor.u32 v30, v11  }
0xb1: {  	v27 =	vadd.s32 $0x270, v21;
	v31 =	vadd.s32 $0x340, v21;
	v32 =	vadd.s32 $0x4E0, v21  }
0xb2: {  	v19 =	vadd.f32 v24, v29;
	v11 =	vnsel vm2, $0xFF61B1E6, v22;
	v33 =	vadd.s32 $0x410, v21;
	[tilespmem:s16+$0xFFFFFF30] =	vst v17  }
0xb3: {  	v28 =	vor.u32 v30, v28;
	v22 =	vsub.f32 v29, v24;
	v24 =	vadd.s32 $0x1A0, v21;
	[tilespmem:s16+$0xFFFFFE60] =	vst v20  }
0xb4: {  	vm3 =	vlt.s32 v25, $0xE;
	v9 =	vmul.u32 $0xC4, v9;
	v29 =	vcvt.s32.f32 v18;
	[tilespmem:s16+$0x1A0] =	vst v11  }
0xb5: {  	v30 =	vsel vm2, $0x3F800000, v1;
	[tilespmem:s16+$0x0] =	vst v22  }
0xb6: {  	v8 =	vmax.f32 v8, v30;
	v11 =	vadd.s32 v9, v10  }
0xb7: {  	[tilespmem:s16+$0xD0] =	vst v19  }
0xb8: {  	v27 =	vld.idx.msk [tilespmem:v27+s1+$0x0], $0xffff  }
0xb9: {  	v30 =	vld.idx.msk [tilespmem:v31+s1+$0x0], $0xffff  }
0xba: {  	v10 =	vld.idx.msk [tilespmem:v33+s1+$0x0], $0xffff  }
0xbb: {  	v31 =	vsel vm4, $0x3E4C5709, v3;
	v9 =	vld.idx.msk [tilespmem:v32+s1+$0x0], $0xffff  }
0xbc: {  	v31 =	vsel vm5, $0x3EA1CA3D, v31;
	v32 =	vsel vm4, $0x3E804CCD, v4  }
0xbd: {  	v31 =	vsel vm6, $0x3F178A3D, v31;
	v32 =	vsel vm5, $0x3F0195C3, v32  }
0xbe: {  	v31 =	vsel vm7, $0x3F33C7AE, v31;
	v27 =	vsub.f32 $0.0e+00, v27  }
0xbf: {  	v32 =	vsel vm6, $0x3E9AE666, v32;
	v30 =	vsub.f32 $0.0e+00, v30;
	(erf) = vrcp.f32 v31  }
0xc0: {  	v32 =	vsel vm7, $0x3F201D70, v32;
	v27 =	vmul.f32 $1.442695020e+00, v27;
	v33 =	vmul.f32 $1.442695020e+00, v10  }
0xc1: {  	v30 =	vmul.f32 $1.442695020e+00, v30;
	(erf) = vrcp.f32 v32  }
0xc2: {  	v34 =	vmul.f32 $1.442695020e+00, v9;
	(erf) = vpow2.f32 v27  }
0xc3: {  	(erf) = vpow2.f32 v30  }
0xc4: {  	(erf) = vpow2.f32 v33  }
0xc5: {  	(erf) = vpow2.f32 v34;
	_ =	sdelay $0x2  }
0xc6: {  	v27 =	vpop (erf)  }
0xc7: {  	v14 =	vmul.f32 v27, v14  }
0xc8: {  	v27 =	vpop (erf)  }
0xc9: {  	v30 =	vshrl.u32 v14, $0x17;
	v33 =	vand.u32 $0x7FFFFF, v14;
	v12 =	vmul.f32 v27, v12;
	v27 =	vpop (erf)  }
0xca: {  	v38 =	vadd.f32 $1.000000000e+00, v27;
	v30 =	vand.u32 $0xFF, v30;
	v33 =	vor.u32 $0x3F800000, v33;
	v34 =	vpop (erf)  }
0xcb: {  	v34 =	vadd.f32 $1.000000000e+00, v34;
	v35 =	vadd.f32 $1.000000000e+00, v33;
	v36 =	vand.u32 $0x7FFFFF, v12;
	v37 =	vpop (erf)  }
0xcc: {  	v36 =	vor.u32 $0x3F800000, v36;
	v31 =	vmul.f32 v31, v37;
	(erf) = vrcp.f32 v38;
	v27 =	vpop (erf)  }
0xcd: {  	v37 =	vadd.f32 $1.000000000e+00, v36;
	v27 =	vmul.f32 v32, v27;
	(erf) = vrcp.f32 v35  }
0xce: {  	v30 =	vadd.s32 $0xFFFFFF81, v30;
	v32 =	vshrl.u32 v12, $0x17;
	(erf) = vrcp.f32 v34  }
0xcf: {  	v32 =	vand.u32 $0xFF, v32;
	v34 =	vmul.f32 v27, v31;
	(erf) = vrcp.f32 v37  }
0xd0: {  	vm4 =	vgt.f32 v14, $0.0e+00;
	v30 =	vcvt.s32.f32 v30;
	v14 =	vadd.s32 $0xFFFFFF81, v32  }
0xd1: {  	vm5 =	vlt.s32 v18, $0xE;
	v32 =	vcvt.s32.f32 v14;
	v34 =	vadd.f32 v34, v13  }
0xd2: {  	v18 =	vadd.s32 $0x400, v11;
	vm3 =	vmand vm3, vm5;
	v13 =	vcvt.s32.f32 v25  }
0xd3: {  	vm3 =	vmand vm2, vm3;
	v14 =	vsub.f32 v15, v29;
	v15 =	vcvt.s32.f32 v23  }
0xd4: {  	v23 =	vadd.s32 $0xD0, v21;
	v37 =	vsub.f32 v16, v13;
	v16 =	vcvt.s32.f32 v26  }
0xd5: {  	v25 =	vadd.s32 $0xD0, v28;
	v26 =	vadd.s32 $0x1A0, v28;
	v28 =	vadd.f32 $-1.000000000e+00, v33;
	v29 =	vpop (erf)  }
0xd6: {  	v33 =	vmul.f32 v14, v37;
	v16 =	vadd.f32 v16, v29;
	v29 =	vsub.f32 v29, v37;
	v13 =	vpop (erf)  }
0xd7: {  	v27 =	vmul.f32 $5.000000000e-01, v27;
	v28 =	vmul.f32 v13, v28;
	v13 =	vadd.f32 $-1.000000000e+00, v36;
	v35 =	vpop (erf)  }
0xd8: {  	v31 =	vmul.f32 $5.000000000e-01, v31;
	v16 =	vmul.f32 v16, v5;
	v15 =	vadd.f32 v15, v35;
	v36 =	vpop (erf)  }
0xd9: {  	v35 =	vsub.f32 v35, v14;
	v37 =	vmul.f32 v28, v28;
	v36 =	vmul.f32 v36, v13  }
0xda: {  	v14 =	vmul.f32 v15, v5;
	v15 =	vsub.f32 v16, v31;
	v16 =	vadd.f32 v31, v16  }
0xdb: {  	v13 =	vsub.f32 $2.000000000e+00, v33;
	v31 =	vmul.f32 $1.111111120e-01, v37;
	v38 =	vmul.f32 v36, v36  }
0xdc: {  	v33 =	vsub.f32 v14, v27;
	v27 =	vadd.f32 v27, v14;
	v15 =	vmax.f32 v15, v20  }
0xdd: {  	v16 =	vmin.f32 v16, v17;
	v14 =	vld.idx.msk [tilespmem:v21+s1+$0x0], $0xffff;
	v20 =	vadd.f32 $1.428571490e-01, v31;
	v21 =	vmul.f32 $1.111111120e-01, v38  }
0xde: {  	v15 =	vsub.f32 v16, v15;
	v17 =	vld.idx.msk [tilespmem:v24+s1+$0x0], $0xffff;
	v22 =	vmax.f32 v33, v22;
	v19 =	vmin.f32 v27, v19  }
0xdf: {  	v16 =	vld.idx.msk [tilespmem:v26+s10+$0x0], $0xffff;
	v20 =	vmul.f32 v20, v37;
	v21 =	vadd.f32 $1.428571490e-01, v21;
	v19 =	vsub.f32 v19, v22  }
0xe0: {  	v24 =	vmul.f32 v29, v13;
	v15 =	vmax.f32 v15, $0.0e+00;
	v22 =	vld.idx.msk [tilespmem:v25+s10+$0x0], $0xffff;
	v25 =	vmul.f32 v35, v13  }
0xe1: {  	v23 =	vld.idx.msk [tilespmem:v23+s1+$0x0], $0xffff;
	v20 =	vadd.f32 $2.000000030e-01, v20;
	v21 =	vmul.f32 v21, v38;
	v19 =	vmax.f32 v19, $0.0e+00  }
0xe2: {  	v15 =	vmul.f32 v19, v15;
	[tilespmem:v11+s11+$0x0] =	vst.idx.add.f32.msk vm3, v24  }
0xe3: {  	v19 =	vmul.f32 v20, v37;
	v20 =	vadd.f32 $2.000000030e-01, v21;
	[tilespmem:v18+s11+$0x0] =	vst.idx.add.f32.msk vm3, v25  }
0xe4: {  	v18 =	vsub.f32 v34, v15  }
0xe5: {  	v16 =	vsub.f32 v17, v16;
	v19 =	vadd.f32 $3.333333430e-01, v19;
	v20 =	vmul.f32 v20, v38  }
0xe6: {  	(erf) = vrcp.f32 v18  }
0xe7: {  	v17 =	vmul.f32 v19, v37;
	v18 =	vadd.f32 $3.333333430e-01, v20;
	v19 =	vsub.f32 v23, v22  }
0xe8: {  	v16 =	vmul.f32 v16, v16  }
0xe9: {  	v20 =	vadd.f32 v28, v28;
	v17 =	vadd.f32 $1.000000000e+00, v17;
	v18 =	vmul.f32 v18, v38  }
.Ltmp1:
0xea: {  	v21 =	vmul.f32 $6.931471820e-01, v30;
	v19 =	vmul.f32 v19, v19;
	(pc) =	sbr.rel @p1 .LBB2_5-.Ltmp1, $4  }
0xeb: {  	v17 =	vmul.f32 v17, v20;
	v18 =	vadd.f32 $1.000000000e+00, v18;
	v20 =	vadd.f32 v36, v36  }
0xec: {  	v19 =	vadd.f32 v16, v19  }
0xed: {  	v16 =	vadd.f32 v17, v21;
	v17 =	vmul.f32 $6.931471820e-01, v32;
	v18 =	vmul.f32 v18, v20  }
0xee: {  	v19 =	vnsel vm2, $0x0, v19  }
0xef: {  	v7 =	vadd.f32 v19, v7;
	_ =	sdelay $0x1  }
0xf0: {  	(xrf2) =	vadd.scan.msk.f32 $0xffff, v7;
	_ =	sdelay $0x2  }
0xf1: {  	(xrf0) =	vmax.scan.msk.f32 $0xffff, v8  }
0xf2: {  	v8 =	vadd.s32 $0x800, v11;
	v57 =	vpop (erf);
	v7 =	vadd.f32 v18, v17  }
0xf3: {  	v16 =	vnsel vm4, $0xFF800000, v16;
	vm2 =	vgt.f32 v12, $0.0e+00;
	v58 =	vmul.f32 v57, v15  }
0xf4: {  	v59 =	vadd.s32 $0xC00, v11;
	v10 =	vsub.f32 v10, v16;
	v7 =	vnsel vm2, $0xFF800000, v7  }
0xf5: {  	v60 =	vadd.s32 $0x1000, v11;
	v12 =	vmax.f32 v58, $0.0e+00;
	v7 =	vsub.f32 v9, v7  }
0xf6: {  	v61 =	vadd.s32 $0x1400, v11;
	v10 =	vmul.f32 v10, v13;
	v12 =	vsub.f32 v14, v12  }
0xf7: {  	v62, _, _ =	vpop (xrf0);
	v7 =	vmul.f32 v7, v13  }
0xf8: {  	[tilespmem:v8+s11+$0x0] =	vst.idx.add.f32.msk vm3, v10;
	v12 =	vmul.f32 $5.000000000e+00, v12;
	v63 =	vbroadcast v62, $0xF;
	v8, _, _ =	vpop (xrf2)  }
0xf9: {  	[tilespmem:v59+s11+$0x0] =	vst.idx.add.f32.msk vm3, v7;
	v7 =	vbroadcast v8, $0xF  }
0xfa: {  	s15 =	smul.u32 $0x300, s14;
	[tilespmem:v60+s11+$0x0] =	vst.idx.add.f32.msk vm3, v12;
	v8 =	vnsel vm0, $0x0, v63  }
0xfb: {  	[tilespmem:v61+s11+$0x0] =	vst.idx.add.f32.msk vm3, v2;
	v7 =	vsel vm1, v8, v7  }
0xfc: {  	s15 =	sadd.s32 s5, s15;
	[tilespmem:$0x2630] =	vst v7  }
0xfd: {  	[hbm4b:s15+s1] =	stream.linear.scatter [tilespmem:s11], [sflag:$0x1], $0x1800, $0x38;
	[tilespmem:$0x3F00] =	vst v63  }
0xfe: {  	s15 =	simm.s32 $0x1  }
0xff: {  	s31 =	smul.u32 $0x9C, s14;
	_ =	swait.ge [sflag:s15], $0x1800  }
0x100: {  	[sflag:s15] =	ssyncset.done $0x0  }
.Ltmp2:
0x101: {  	s14 =	sadd.s32 s6, s31;
	[sflag:s15] =	ssyncadd.s32 $0xFFFFE800;
	(pc) =	sbr.rel @p0 .LBB2_2-.Ltmp2, $4  }
0x102: {  	[hbm4b:s14+s1] =	stream.linear.scatter [tilespmem:s12], [sflag:$0x1], $0x4E0, $0x38;
	[tilespmem:$0x3F00] =	vst v63  }
0x103: {  	_ =	swait.ge [sflag:s15], $0x4E0  }
0x104: {  	[sflag:s15] =	ssyncset.done $0x0  }
0x105: {  	p1 =	por $0x0, $0x0;
	[sflag:s15] =	ssyncadd.s32 $0xFFFFFB20  }
0x106: {  	s13 =	sadd.s32 $0x1, s13  }
0x107: {  	p0 =	sne.s32 s13, s8  }
.Ltmp3:
0x108: {  	_ = 	snop;
	(pc) =	sbr.rel @p0 .LBB2_1-.Ltmp3, $1  }
0x109: {  	_ =	sdelay $0x3  }
0x10a: {  	_ =	sfence.sel $0x180000  }
0x10b: {  	[bflag:$0x0] =	sbarrier.arrive $0xFFFF  }
0x10c: {  	p0 =	sne.s32 s2, $0x0;
	_ =	strace $0x90000047  }
0x10d: {  	s0 =	sadd.s32 @!p0 $0x100000, s0;
	[bflag:$0x2] =	sbarrier.arrive $0xFFFF  }
0x10e: {  	[sflag:s0] =	ssyncadd.tile.s32 @!p0 $0x1;
	_ =	shalt  }
.Lfunc_end2:
_tile_overlayer_lowered:
.L_overlay_start_2:
0x10f: {  	(tag) =	ssettag $0x2  }
0x110: {  	s0 =	rddreg [dreg:$0x0];
	s2 =	stileid.u32  }
0x111: {  	s1 =	rddreg [dreg:$0x1];
	p0 =	sne.s32 s2, $0x0  }
0x112: {  	s3 =	rddreg [dreg:$0x2];
	[bflag:$0x3] =	sbarrier.arrive $0xFFFF;
	s2 =	simm.s32 @!p0 $0x1C01  }
0x113: {  	[timem:s3], [sflag:s2] =	dma.local @!p0 [hbm:s0], s1  }
0x114: {  	s0 =	simm.s32 @!p0 $0x1  }
0x115: {  	_ =	swait.ge @!p0 [sflag:s0], s1  }
0x116: {  	s1 =	ssub.s32 @!p0 $0x0, s1;
	[sflag:s0] =	ssyncset.done @!p0 $0x0  }
0x117: {  	[sflag:s0] =	ssyncadd.s32 @!p0 s1  }
0x118: {  	[bflag:$0x3] =	sbarrier.arrive $0xFFFF  }
0x119: {  	_ =	shalt  }

</sc_bundles>
